<compile_context>
chip_gen: v7x
topology: tpu7x:2x2x1
jax: 0.10.2.dev20260603
libtpu: 0.0.44.dev20260713+nightly
codegen_flags: <defaults>
</compile_context>

<pallas_src>
import functools

import numpy as np
import jax
import jax.numpy as jnp
from jax import lax
from jax.experimental import pallas as pl
from jax.experimental.pallas import tpu as pltpu
from jax.experimental.pallas import tpu_sc as plsc

_EPS = 1e-6
_MARGIN = 0.5
_N = 2048
_D = 512
_NU = 32
_NP = _NU * _N
_NW = 32
_PPW = _NP // _NW
_CAP = 512
_NEG_INF = float("-inf")

def _tf2x32(k1, k2, x0, x1):
    rot0 = (13, 15, 26, 6)
    rot1 = (17, 29, 16, 24)
    ks = (np.uint32(k1), np.uint32(k2),
          np.uint32(k1) ^ np.uint32(k2) ^ np.uint32(0x1BD11BDA))
    x = [x0.astype(np.uint32) + ks[0], x1.astype(np.uint32) + ks[1]]

    def rounds(x, rots):
        for r in rots:
            x[0] = x[0] + x[1]
            x[1] = (x[1] << np.uint32(r)) | (x[1] >> np.uint32(32 - r))
            x[1] = x[0] ^ x[1]

    rounds(x, rot0)
    x[0] += ks[1]; x[1] += ks[2] + np.uint32(1)
    rounds(x, rot1)
    x[0] += ks[2]; x[1] += ks[0] + np.uint32(2)
    rounds(x, rot0)
    x[0] += ks[0]; x[1] += ks[1] + np.uint32(3)
    rounds(x, rot1)
    x[0] += ks[1]; x[1] += ks[2] + np.uint32(4)
    rounds(x, rot0)
    x[0] += ks[2]; x[1] += ks[0] + np.uint32(5)
    return x[0], x[1]


def _np_split(key):
    b1, b2 = _tf2x32(key[0], key[1],
                     np.zeros(2, np.uint32), np.arange(2, dtype=np.uint32))
    return (b1[0], b2[0]), (b1[1], b2[1])


def _np_randint(key, n, span):
    _, k2 = _np_split(key)
    hi = np.zeros(n, np.uint32)
    lo = np.arange(n, dtype=np.uint32)
    b1, b2 = _tf2x32(k2[0], k2[1], hi, lo)
    return ((b1 ^ b2) % np.uint32(span)).astype(np.int32)


def _draw_pairs():
    key = (np.uint32(0), np.uint32(42))
    ka, kb = _np_split(key)
    return _np_randint(ka, _NP, _N), _np_randint(kb, _NP, _N)


_left, _right = _draw_pairs()
_lo_np = np.minimum(_left, _right).astype(np.int32)
_hi_np = np.maximum(_left, _right).astype(np.int32)
_c2_np = _hi_np & 1023
_gidx_np = (_c2_np >> 7) * (_N * 128) + _lo_np * 128 + (_c2_np & 127)
_meta_np = _lo_np | (_hi_np << 11)
_perm = np.argsort(_gidx_np, kind="stable")
_GIDX = _gidx_np[_perm].reshape(_NW, 16, 128)
_PAIRMETA = _meta_np[_perm].reshape(_NW, 16, 128)


_BLK = 1024


def _gram_body(oi_ref, oall_ref, g_ref):
    a = oi_ref[...]
    b = oall_ref[...]
    na = jnp.maximum(jnp.sqrt(jnp.sum(a * a, axis=1, keepdims=True)), 1e-12)
    nb = jnp.maximum(jnp.sqrt(jnp.sum(b * b, axis=1, keepdims=True)), 1e-12)
    big = lax.dot_general(
        (a / na).astype(jnp.bfloat16), (b / nb).astype(jnp.bfloat16),
        (((1,), (1,)), ((), ())),
        preferred_element_type=jnp.float32)
    b16 = big.astype(jnp.bfloat16)
    lo_u = lax.bitcast_convert_type(b16[:, :_N // 2], jnp.uint16)
    hi_u = lax.bitcast_convert_type(b16[:, _N // 2:], jnp.uint16)
    word = (lo_u.astype(jnp.int32)
            | (hi_u.astype(jnp.int32) << 16))
    for k in range(_N // 256):
        g_ref[k] = word[:, k * 128:(k + 1) * 128]


def _gram(outputs):
    nb = _N // _BLK
    return pl.pallas_call(
        _gram_body,
        grid=(nb,),
        in_specs=[
            pl.BlockSpec((_BLK, _D), lambda i: (i, 0)),
            pl.BlockSpec((_N, _D), lambda i: (0, 0)),
        ],
        out_specs=pl.BlockSpec((_N // 256, _BLK, 128), lambda i: (0, i, 0)),
        out_shape=jax.ShapeDtypeStruct((_N // 256, _N, 128), jnp.int32),
    )(outputs, outputs)


@functools.cache
def _make_sc_pairs():
    mesh = plsc.VectorSubcoreMesh(
        core_axis_name="c", subcore_axis_name="s", num_cores=2)

    @functools.partial(
        pl.kernel,
        mesh=mesh,
        compiler_params=pltpu.CompilerParams(needs_layout_passes=False),
        out_type=[
            jax.ShapeDtypeStruct((_NW * _CAP,), jnp.float32),
            jax.ShapeDtypeStruct((_NP,), jnp.float32),
        ],
        scratch_types=[
            pltpu.VMEM((16, 128), jnp.int32),
            pltpu.VMEM((16, 128), jnp.int32),
            pltpu.VMEM((_PPW,), jnp.int32),
            pltpu.VMEM((_N,), jnp.int32),
            pltpu.VMEM((_CAP,), jnp.float32),
            pltpu.VMEM((_PPW,), jnp.float32),
            pltpu.SemaphoreType.DMA,
            pltpu.SemaphoreType.DMA,
        ],
    )
    def sc_pairs(gflat_hbm, gidx_hbm, meta_hbm, lab_hbm,
                 vs_hbm, vo_hbm,
                 idx_v, meta_v, g_v, lab_v, vs_v, vo_v, sem_a, sem_b):
        nc = 2
        wid = lax.axis_index("s") * nc + lax.axis_index("c")
        base = wid * _PPW
        cp_idx = pltpu.async_copy(gidx_hbm.at[wid], idx_v, sem_a)
        cp_meta = pltpu.async_copy(meta_hbm.at[wid], meta_v, sem_b)
        cp_lab = pltpu.async_copy(lab_hbm, lab_v, sem_b)
        cp_idx.wait()
        cps = [
            pltpu.async_copy(gflat_hbm.at[idx_v.at[j]],
                             g_v.at[pl.ds(j * 128, 128)], sem_a)
            for j in range(16)
        ]
        neg_inf16 = jnp.full((16,), _NEG_INF, jnp.float32)

        def prefill(c, carry):
            vs_v[pl.ds(c * 16, 16)] = neg_inf16
            return carry

        lax.fori_loop(0, _CAP // 16, prefill, 0)
        cp_meta.wait()
        cp_lab.wait()
        for cp in cps:
            cp.wait()

        def body(c, off):
            sl = pl.ds(c * 16, 16)
            w = g_v[sl]
            mi = meta_v[c >> 3, pl.ds((c & 7) * 16, 16)]
            lo = mi & 0x7FF
            hi = mi >> 11
            half = (hi >> 10) & 1
            val = (w >> (half * 16)) << 16
            g = plsc.bitcast(val, jnp.float32)
            ll = plsc.load_gather(lab_v, [lo])
            lh = plsc.load_gather(lab_v, [hi])
            same = ll == lh
            d = 1.0 - g
            keep = same & (d > _EPS)
            plsc.store_compressed(vs_v.at[pl.ds(off, 16)], d, mask=keep)
            cnt = jnp.sum(keep.astype(jnp.int32))
            vo_v[sl] = jnp.where(same, _NEG_INF, _MARGIN - d)
            return jnp.minimum(off + cnt, _CAP - 16)

        off_end = lax.fori_loop(0, _PPW // 16, body, 0)
        vs_v[pl.ds(off_end, 16)] = neg_inf16
        cp_vs = pltpu.async_copy(vs_v, vs_hbm.at[pl.ds(wid * _CAP, _CAP)],
                                 sem_a)
        cp_vo = pltpu.async_copy(vo_v, vo_hbm.at[pl.ds(base, _PPW)], sem_b)
        cp_vs.wait()
        cp_vo.wait()

    return sc_pairs


def _uval(kth):
    kb = jnp.where(kth >= jnp.uint32(0x80000000),
                   kth & jnp.uint32(0x7FFFFFFF), ~kth)
    return lax.bitcast_convert_type(kb, jnp.float32)


def _select_body(vs_ref, vo_ref, out_ref):
    vs = vs_ref[...]
    vo = vo_ref[...]
    k_s = jnp.sum((vs > _NEG_INF).astype(jnp.int32)) // 2
    k_o = jnp.sum((vo > _NEG_INF).astype(jnp.int32)) // 2
    bs = lax.bitcast_convert_type(vs, jnp.uint32)
    key_s = jnp.where((bs >> 31) == 1, ~bs, bs | jnp.uint32(0x80000000))
    bo = lax.bitcast_convert_type(vo, jnp.uint32)
    key_o = jnp.where((bo >> 31) == 1, ~bo, bo | jnp.uint32(0x80000000))

    def bit_body(i, carry):
        pa, pb = carry
        bit = lax.shift_right_logical(jnp.uint32(0x80000000),
                                      i.astype(jnp.uint32))
        ta = pa | bit
        tb = pb | bit
        ca = jnp.sum((key_s >= ta).astype(jnp.int32))
        cb = jnp.sum((key_o >= tb).astype(jnp.int32))
        return (jnp.where(ca >= k_s, ta, pa), jnp.where(cb >= k_o, tb, pb))

    kth_s, kth_o = lax.fori_loop(
        0, 32, bit_body, (jnp.uint32(0), jnp.uint32(0)))

    gt_s = key_s > kth_s
    gt_o = key_o > kth_o
    c_gt_s = jnp.sum(gt_s.astype(jnp.int32))
    c_gt_o = jnp.sum(gt_o.astype(jnp.int32))
    s_gt_s = jnp.sum(jnp.where(gt_s, vs, 0.0))
    s_gt_o = jnp.sum(jnp.where(gt_o, jnp.maximum(vo, 0.0), 0.0))
    tot_s = s_gt_s + (k_s - c_gt_s).astype(jnp.float32) * _uval(kth_s)
    tot_o = s_gt_o + ((k_o - c_gt_o).astype(jnp.float32)
                      * jnp.maximum(_uval(kth_o), 0.0))
    loss_same = jnp.where(
        k_s > 0, tot_s / jnp.maximum(k_s, 1).astype(jnp.float32), 0.0)
    loss_other = tot_o / k_o.astype(jnp.float32)
    out_ref[0, 0] = loss_same + loss_other


def _select(vs, vo):
    return pl.pallas_call(
        _select_body,
        in_specs=[
            pl.BlockSpec((_NW * _CAP // 128, 128), lambda: (0, 0)),
            pl.BlockSpec((_NP // 128, 128), lambda: (0, 0)),
        ],
        out_specs=pl.BlockSpec(memory_space=pltpu.SMEM),
        out_shape=jax.ShapeDtypeStruct((1, 1), jnp.float32),
    )(vs, vo)


def kernel(outputs, labels):
    g = _gram(outputs)
    vs, vo = _make_sc_pairs()(
        g.reshape(-1),
        jnp.asarray(_GIDX),
        jnp.asarray(_PAIRMETA),
        labels.astype(jnp.int32),
    )
    loss = _select(vs.reshape(_NW * _CAP // 128, 128),
                   vo.reshape(_NP // 128, 128))
    return loss[0, 0]

# --- scband reference (transcript-rebuilt; emitter-appended) ---
"""Pipeline reference for scband-contrastive-loss-random-1872605741704 (READ-ONLY COPY).

The authoritative reference and input builder live on the scoring server;
editing this copy changes nothing except your own understanding.
"""

import jax, jax.numpy as jnp
import numpy as np

EPS = 1e-6
MARGIN = 0.5
LEAVE_HARDEST = 0.5


def _cos_dist(a, b):
    num = jnp.sum(a * b, axis=1)
    den = jnp.maximum(jnp.linalg.norm(a, axis=1) * jnp.linalg.norm(b, axis=1), 1e-8)
    return 1.0 - num / den


def setup_inputs(seed: int = 0):
    key = jax.random.key(seed)
    k1, k2 = jax.random.split(key)
    outputs = jax.random.normal(k1, (2048, 512), dtype=jnp.float32)
    labels = jax.random.randint(k2, (2048,), 0, 32)
    return {"outputs": outputs, "labels": labels}


def reference(outputs, labels):
    # filter_nonzero
    n_samples = outputs.shape[0]
    nz = jnp.where(jnp.any(outputs != 0, axis=1), size=n_samples)[0]
    outs = outputs[nz]
    labs = labels[nz]
    n_unique = 32
    # forward_random: random pair sampling (torch.randint -> jax.random.randint with fixed key)
    kk = jax.random.key(42)
    ka, kb = jax.random.split(kk)
    n_pairs = n_unique * n_samples
    left = jax.random.randint(ka, (n_pairs,), 0, n_samples)
    right = jax.random.randint(kb, (n_pairs,), 0, n_samples)
    dist = _cos_dist(outs[left], outs[right])
    is_same = labs[left] == labs[right]
    neg_inf = jnp.float32(-jnp.inf)
    idx = jnp.arange(n_pairs)
    # dist_same > eps filter
    same_mask = is_same & (dist > EPS)
    # take_hardest (sort descending, keep fraction)
    ds = jnp.sort(jnp.where(same_mask, dist, neg_inf))[::-1]
    m_same = jnp.sum(same_mask)
    k_same = jnp.floor(m_same * LEAVE_HARDEST).astype(jnp.int32)
    sum_same = jnp.sum(jnp.where(idx < k_same, ds, 0.0))
    loss_same = jnp.where(k_same > 0, sum_same / jnp.maximum(k_same, 1), jnp.float32(0.0))
    other_mask = ~is_same
    lo = jnp.sort(jnp.where(other_mask, MARGIN - dist, neg_inf))[::-1]
    m_other = jnp.sum(other_mask)
    k_other = jnp.floor(m_other * LEAVE_HARDEST).astype(jnp.int32)
    loss_other = jnp.sum(jnp.where(idx < k_other, jax.nn.relu(lo), 0.0)) / k_other
    # synaptic_scale = 0, mean_loss_coef = 0 -> no extra terms
    return loss_same + loss_other

if __name__ == "__main__":
    import jax
    _d = setup_inputs()
    print(jax.jit(kernel)(*tuple(_d.values())))

</pallas_src>

<mosaic_0001>
#map = affine_map<(d0, d1) -> (0)>
#map1 = affine_map<(d0, d1) -> (0, 0, 0)>
module attributes {stable_mosaic.version = 14 : i64} {
  func.func @sc_pairs(%arg0: i32, %arg1: i32, %arg2: memref<2097152xi32, #tpu.memory_space<hbm>>, %arg3: memref<32x16x128xi32, #tpu.memory_space<hbm>>, %arg4: memref<32x16x128xi32, #tpu.memory_space<hbm>>, %arg5: memref<2048xi32, #tpu.memory_space<hbm>>, %arg6: memref<16384xf32, #tpu.memory_space<hbm>>, %arg7: memref<65536xf32, #tpu.memory_space<hbm>>, %arg8: memref<16x128xi32, #tpu.memory_space<vmem>>, %arg9: memref<16x128xi32, #tpu.memory_space<vmem>>, %arg10: memref<2048xi32, #tpu.memory_space<vmem>>, %arg11: memref<2048xi32, #tpu.memory_space<vmem>>, %arg12: memref<512xf32, #tpu.memory_space<vmem>>, %arg13: memref<2048xf32, #tpu.memory_space<vmem>>, %arg14: memref<!tpu.dma_semaphore, #tpu.memory_space<semaphore_mem>>, %arg15: memref<!tpu.dma_semaphore, #tpu.memory_space<semaphore_mem>>) attributes {dimension_semantics = [#tpu.dimension_semantics<core_parallel>, #tpu.dimension_semantics<subcore_parallel>], iteration_bounds = array<i64: 2, 16>, scalar_prefetch = 0 : i64, scratch_operands = 8 : i64, tpu.core_type = #tpu.core_type<sc_vector_subcore>, window_params = [{transform_indices = #map}, {transform_indices = #map1}, {transform_indices = #map1}, {transform_indices = #map}, {transform_indices = #map}, {transform_indices = #map}]} {
    %mul3A = arith.constant 2 : i32
    %mul3A_0 = arith.muli %arg1, %mul3A : i32
    %add3A = arith.addi %mul3A_0, %arg0 : i32
    %mul3A_1 = arith.constant 2048 : i32
    %mul3A_2 = arith.muli %add3A, %mul3A_1 : i32
    %dma_start3A = arith.constant 0 : i32
    %dma_start3A_3 = arith.constant 0 : i32
    %dma_start3A_4 = tpu.memref_slice %arg3[%add3A, %dma_start3A, %dma_start3A_3] : memref<32x16x128xi32, #tpu.memory_space<hbm>> -> memref<1x16x128xi32, #tpu.memory_space<hbm>>
    %dma_start3A_5 = tpu.memref_squeeze %dma_start3A_4 : memref<1x16x128xi32, #tpu.memory_space<hbm>> -> memref<16x128xi32, #tpu.memory_space<hbm>>
    %dma_start3A_6 = arith.constant 0 : i32
    %dma_start3A_7 = arith.constant 0 : i32
    %dma_start3A_8 = tpu.memref_slice %arg3[%add3A, %dma_start3A_6, %dma_start3A_7] : memref<32x16x128xi32, #tpu.memory_space<hbm>> -> memref<1x16x128xi32, #tpu.memory_space<hbm>>
    %dma_start3A_9 = tpu.memref_squeeze %dma_start3A_8 : memref<1x16x128xi32, #tpu.memory_space<hbm>> -> memref<16x128xi32, #tpu.memory_space<hbm>>
    tpu.enqueue_dma source(%dma_start3A_9 : memref<16x128xi32, #tpu.memory_space<hbm>>) target(%arg8 : memref<16x128xi32, #tpu.memory_space<vmem>>) target_semaphore(%arg14 : memref<!tpu.dma_semaphore, #tpu.memory_space<semaphore_mem>>)
    %dma_start3A_10 = arith.constant 0 : i32
    %dma_start3A_11 = arith.constant 0 : i32
    %dma_start3A_12 = tpu.memref_slice %arg4[%add3A, %dma_start3A_10, %dma_start3A_11] : memref<32x16x128xi32, #tpu.memory_space<hbm>> -> memref<1x16x128xi32, #tpu.memory_space<hbm>>
    %dma_start3A_13 = tpu.memref_squeeze %dma_start3A_12 : memref<1x16x128xi32, #tpu.memory_space<hbm>> -> memref<16x128xi32, #tpu.memory_space<hbm>>
    %dma_start3A_14 = arith.constant 0 : i32
    %dma_start3A_15 = arith.constant 0 : i32
    %dma_start3A_16 = tpu.memref_slice %arg4[%add3A, %dma_start3A_14, %dma_start3A_15] : memref<32x16x128xi32, #tpu.memory_space<hbm>> -> memref<1x16x128xi32, #tpu.memory_space<hbm>>
    %dma_start3A_17 = tpu.memref_squeeze %dma_start3A_16 : memref<1x16x128xi32, #tpu.memory_space<hbm>> -> memref<16x128xi32, #tpu.memory_space<hbm>>
    tpu.enqueue_dma source(%dma_start3A_17 : memref<16x128xi32, #tpu.memory_space<hbm>>) target(%arg9 : memref<16x128xi32, #tpu.memory_space<vmem>>) target_semaphore(%arg15 : memref<!tpu.dma_semaphore, #tpu.memory_space<semaphore_mem>>)
    tpu.enqueue_dma source(%arg5 : memref<2048xi32, #tpu.memory_space<hbm>>) target(%arg11 : memref<2048xi32, #tpu.memory_space<vmem>>) target_semaphore(%arg15 : memref<!tpu.dma_semaphore, #tpu.memory_space<semaphore_mem>>)
    %dma_wait3A = arith.constant 0 : i32
    %dma_wait3A_18 = arith.constant 0 : i32
    %dma_wait3A_19 = tpu.memref_slice %arg3[%add3A, %dma_wait3A, %dma_wait3A_18] : memref<32x16x128xi32, #tpu.memory_space<hbm>> -> memref<1x16x128xi32, #tpu.memory_space<hbm>>
    %dma_wait3A_20 = tpu.memref_squeeze %dma_wait3A_19 : memref<1x16x128xi32, #tpu.memory_space<hbm>> -> memref<16x128xi32, #tpu.memory_space<hbm>>
    %dma_wait3A_21 = arith.constant 0 : i32
    %dma_wait3A_22 = arith.constant 0 : i32
    %dma_wait3A_23 = tpu.memref_slice %arg3[%add3A, %dma_wait3A_21, %dma_wait3A_22] : memref<32x16x128xi32, #tpu.memory_space<hbm>> -> memref<1x16x128xi32, #tpu.memory_space<hbm>>
    %dma_wait3A_24 = tpu.memref_squeeze %dma_wait3A_23 : memref<1x16x128xi32, #tpu.memory_space<hbm>> -> memref<16x128xi32, #tpu.memory_space<hbm>>
    tpu.wait_dma2 semaphore(%arg14 : memref<!tpu.dma_semaphore, #tpu.memory_space<semaphore_mem>>) src(%dma_wait3A_24 : memref<16x128xi32, #tpu.memory_space<hbm>>) dst(%arg8 : memref<16x128xi32, #tpu.memory_space<vmem>>)
    %dma_start3A_25 = arith.constant 0 : i32
    %dma_start3A_26 = arith.constant 0 : i32
    %dma_start3A_27 = tpu.memref_slice %arg10[%dma_start3A_26] : memref<2048xi32, #tpu.memory_space<vmem>> -> memref<128xi32, #tpu.memory_space<vmem>>
    %dma_start3A_28 = arith.constant 0 : i32
    %dma_start3A_29 = tpu.memref_slice %arg8[%dma_start3A_25, %dma_start3A_28] : memref<16x128xi32, #tpu.memory_space<vmem>> -> memref<1x128xi32, #tpu.memory_space<vmem>>
    %dma_start3A_30 = tpu.memref_squeeze %dma_start3A_29 : memref<1x128xi32, #tpu.memory_space<vmem>> -> memref<128xi32, #tpu.memory_space<vmem>>
    %dma_start3A_31 = arith.constant 0 : i32
    %dma_start3A_32 = tpu.memref_slice %arg2[%dma_start3A_31] : memref<2097152xi32, #tpu.memory_space<hbm>> -> memref<2097152xi32, #tpu.memory_space<hbm>>
    tpu.enqueue_indirect_dma source(%dma_start3A_32 : memref<2097152xi32, #tpu.memory_space<hbm>>) target(%dma_start3A_27 : memref<128xi32, #tpu.memory_space<vmem>>) offsets(%dma_start3A_30 : memref<128xi32, #tpu.memory_space<vmem>>) semaphore(%arg14 : memref<!tpu.dma_semaphore, #tpu.memory_space<semaphore_mem>>)
    %dma_start3A_33 = arith.constant 1 : i32
    %dma_start3A_34 = arith.constant 128 : i32
    %dma_start3A_35 = tpu.memref_slice %arg10[%dma_start3A_34] : memref<2048xi32, #tpu.memory_space<vmem>> -> memref<128xi32, #tpu.memory_space<vmem>>
    %dma_start3A_36 = arith.constant 0 : i32
    %dma_start3A_37 = tpu.memref_slice %arg8[%dma_start3A_33, %dma_start3A_36] : memref<16x128xi32, #tpu.memory_space<vmem>> -> memref<1x128xi32, #tpu.memory_space<vmem>>
    %dma_start3A_38 = tpu.memref_squeeze %dma_start3A_37 : memref<1x128xi32, #tpu.memory_space<vmem>> -> memref<128xi32, #tpu.memory_space<vmem>>
    %dma_start3A_39 = arith.constant 0 : i32
    %dma_start3A_40 = tpu.memref_slice %arg2[%dma_start3A_39] : memref<2097152xi32, #tpu.memory_space<hbm>> -> memref<2097152xi32, #tpu.memory_space<hbm>>
    tpu.enqueue_indirect_dma source(%dma_start3A_40 : memref<2097152xi32, #tpu.memory_space<hbm>>) target(%dma_start3A_35 : memref<128xi32, #tpu.memory_space<vmem>>) offsets(%dma_start3A_38 : memref<128xi32, #tpu.memory_space<vmem>>) semaphore(%arg14 : memref<!tpu.dma_semaphore, #tpu.memory_space<semaphore_mem>>)
    %dma_start3A_41 = arith.constant 2 : i32
    %dma_start3A_42 = arith.constant 256 : i32
    %dma_start3A_43 = tpu.memref_slice %arg10[%dma_start3A_42] : memref<2048xi32, #tpu.memory_space<vmem>> -> memref<128xi32, #tpu.memory_space<vmem>>
    %dma_start3A_44 = arith.constant 0 : i32
    %dma_start3A_45 = tpu.memref_slice %arg8[%dma_start3A_41, %dma_start3A_44] : memref<16x128xi32, #tpu.memory_space<vmem>> -> memref<1x128xi32, #tpu.memory_space<vmem>>
    %dma_start3A_46 = tpu.memref_squeeze %dma_start3A_45 : memref<1x128xi32, #tpu.memory_space<vmem>> -> memref<128xi32, #tpu.memory_space<vmem>>
    %dma_start3A_47 = arith.constant 0 : i32
    %dma_start3A_48 = tpu.memref_slice %arg2[%dma_start3A_47] : memref<2097152xi32, #tpu.memory_space<hbm>> -> memref<2097152xi32, #tpu.memory_space<hbm>>
    tpu.enqueue_indirect_dma source(%dma_start3A_48 : memref<2097152xi32, #tpu.memory_space<hbm>>) target(%dma_start3A_43 : memref<128xi32, #tpu.memory_space<vmem>>) offsets(%dma_start3A_46 : memref<128xi32, #tpu.memory_space<vmem>>) semaphore(%arg14 : memref<!tpu.dma_semaphore, #tpu.memory_space<semaphore_mem>>)
    %dma_start3A_49 = arith.constant 3 : i32
    %dma_start3A_50 = arith.constant 384 : i32
    %dma_start3A_51 = tpu.memref_slice %arg10[%dma_start3A_50] : memref<2048xi32, #tpu.memory_space<vmem>> -> memref<128xi32, #tpu.memory_space<vmem>>
    %dma_start3A_52 = arith.constant 0 : i32
    %dma_start3A_53 = tpu.memref_slice %arg8[%dma_start3A_49, %dma_start3A_52] : memref<16x128xi32, #tpu.memory_space<vmem>> -> memref<1x128xi32, #tpu.memory_space<vmem>>
    %dma_start3A_54 = tpu.memref_squeeze %dma_start3A_53 : memref<1x128xi32, #tpu.memory_space<vmem>> -> memref<128xi32, #tpu.memory_space<vmem>>
    %dma_start3A_55 = arith.constant 0 : i32
    %dma_start3A_56 = tpu.memref_slice %arg2[%dma_start3A_55] : memref<2097152xi32, #tpu.memory_space<hbm>> -> memref<2097152xi32, #tpu.memory_space<hbm>>
    tpu.enqueue_indirect_dma source(%dma_start3A_56 : memref<2097152xi32, #tpu.memory_space<hbm>>) target(%dma_start3A_51 : memref<128xi32, #tpu.memory_space<vmem>>) offsets(%dma_start3A_54 : memref<128xi32, #tpu.memory_space<vmem>>) semaphore(%arg14 : memref<!tpu.dma_semaphore, #tpu.memory_space<semaphore_mem>>)
    %dma_start3A_57 = arith.constant 4 : i32
    %dma_start3A_58 = arith.constant 512 : i32
    %dma_start3A_59 = tpu.memref_slice %arg10[%dma_start3A_58] : memref<2048xi32, #tpu.memory_space<vmem>> -> memref<128xi32, #tpu.memory_space<vmem>>
    %dma_start3A_60 = arith.constant 0 : i32
    %dma_start3A_61 = tpu.memref_slice %arg8[%dma_start3A_57, %dma_start3A_60] : memref<16x128xi32, #tpu.memory_space<vmem>> -> memref<1x128xi32, #tpu.memory_space<vmem>>
    %dma_start3A_62 = tpu.memref_squeeze %dma_start3A_61 : memref<1x128xi32, #tpu.memory_space<vmem>> -> memref<128xi32, #tpu.memory_space<vmem>>
    %dma_start3A_63 = arith.constant 0 : i32
    %dma_start3A_64 = tpu.memref_slice %arg2[%dma_start3A_63] : memref<2097152xi32, #tpu.memory_space<hbm>> -> memref<2097152xi32, #tpu.memory_space<hbm>>
    tpu.enqueue_indirect_dma source(%dma_start3A_64 : memref<2097152xi32, #tpu.memory_space<hbm>>) target(%dma_start3A_59 : memref<128xi32, #tpu.memory_space<vmem>>) offsets(%dma_start3A_62 : memref<128xi32, #tpu.memory_space<vmem>>) semaphore(%arg14 : memref<!tpu.dma_semaphore, #tpu.memory_space<semaphore_mem>>)
    %dma_start3A_65 = arith.constant 5 : i32
    %dma_start3A_66 = arith.constant 640 : i32
    %dma_start3A_67 = tpu.memref_slice %arg10[%dma_start3A_66] : memref<2048xi32, #tpu.memory_space<vmem>> -> memref<128xi32, #tpu.memory_space<vmem>>
    %dma_start3A_68 = arith.constant 0 : i32
    %dma_start3A_69 = tpu.memref_slice %arg8[%dma_start3A_65, %dma_start3A_68] : memref<16x128xi32, #tpu.memory_space<vmem>> -> memref<1x128xi32, #tpu.memory_space<vmem>>
    %dma_start3A_70 = tpu.memref_squeeze %dma_start3A_69 : memref<1x128xi32, #tpu.memory_space<vmem>> -> memref<128xi32, #tpu.memory_space<vmem>>
    %dma_start3A_71 = arith.constant 0 : i32
    %dma_start3A_72 = tpu.memref_slice %arg2[%dma_start3A_71] : memref<2097152xi32, #tpu.memory_space<hbm>> -> memref<2097152xi32, #tpu.memory_space<hbm>>
    tpu.enqueue_indirect_dma source(%dma_start3A_72 : memref<2097152xi32, #tpu.memory_space<hbm>>) target(%dma_start3A_67 : memref<128xi32, #tpu.memory_space<vmem>>) offsets(%dma_start3A_70 : memref<128xi32, #tpu.memory_space<vmem>>) semaphore(%arg14 : memref<!tpu.dma_semaphore, #tpu.memory_space<semaphore_mem>>)
    %dma_start3A_73 = arith.constant 6 : i32
    %dma_start3A_74 = arith.constant 768 : i32
    %dma_start3A_75 = tpu.memref_slice %arg10[%dma_start3A_74] : memref<2048xi32, #tpu.memory_space<vmem>> -> memref<128xi32, #tpu.memory_space<vmem>>
    %dma_start3A_76 = arith.constant 0 : i32
    %dma_start3A_77 = tpu.memref_slice %arg8[%dma_start3A_73, %dma_start3A_76] : memref<16x128xi32, #tpu.memory_space<vmem>> -> memref<1x128xi32, #tpu.memory_space<vmem>>
    %dma_start3A_78 = tpu.memref_squeeze %dma_start3A_77 : memref<1x128xi32, #tpu.memory_space<vmem>> -> memref<128xi32, #tpu.memory_space<vmem>>
    %dma_start3A_79 = arith.constant 0 : i32
    %dma_start3A_80 = tpu.memref_slice %arg2[%dma_start3A_79] : memref<2097152xi32, #tpu.memory_space<hbm>> -> memref<2097152xi32, #tpu.memory_space<hbm>>
    tpu.enqueue_indirect_dma source(%dma_start3A_80 : memref<2097152xi32, #tpu.memory_space<hbm>>) target(%dma_start3A_75 : memref<128xi32, #tpu.memory_space<vmem>>) offsets(%dma_start3A_78 : memref<128xi32, #tpu.memory_space<vmem>>) semaphore(%arg14 : memref<!tpu.dma_semaphore, #tpu.memory_space<semaphore_mem>>)
    %dma_start3A_81 = arith.constant 7 : i32
    %dma_start3A_82 = arith.constant 896 : i32
    %dma_start3A_83 = tpu.memref_slice %arg10[%dma_start3A_82] : memref<2048xi32, #tpu.memory_space<vmem>> -> memref<128xi32, #tpu.memory_space<vmem>>
    %dma_start3A_84 = arith.constant 0 : i32
    %dma_start3A_85 = tpu.memref_slice %arg8[%dma_start3A_81, %dma_start3A_84] : memref<16x128xi32, #tpu.memory_space<vmem>> -> memref<1x128xi32, #tpu.memory_space<vmem>>
    %dma_start3A_86 = tpu.memref_squeeze %dma_start3A_85 : memref<1x128xi32, #tpu.memory_space<vmem>> -> memref<128xi32, #tpu.memory_space<vmem>>
    %dma_start3A_87 = arith.constant 0 : i32
    %dma_start3A_88 = tpu.memref_slice %arg2[%dma_start3A_87] : memref<2097152xi32, #tpu.memory_space<hbm>> -> memref<2097152xi32, #tpu.memory_space<hbm>>
    tpu.enqueue_indirect_dma source(%dma_start3A_88 : memref<2097152xi32, #tpu.memory_space<hbm>>) target(%dma_start3A_83 : memref<128xi32, #tpu.memory_space<vmem>>) offsets(%dma_start3A_86 : memref<128xi32, #tpu.memory_space<vmem>>) semaphore(%arg14 : memref<!tpu.dma_semaphore, #tpu.memory_space<semaphore_mem>>)
    %dma_start3A_89 = arith.constant 8 : i32
    %dma_start3A_90 = arith.constant 1024 : i32
    %dma_start3A_91 = tpu.memref_slice %arg10[%dma_start3A_90] : memref<2048xi32, #tpu.memory_space<vmem>> -> memref<128xi32, #tpu.memory_space<vmem>>
    %dma_start3A_92 = arith.constant 0 : i32
    %dma_start3A_93 = tpu.memref_slice %arg8[%dma_start3A_89, %dma_start3A_92] : memref<16x128xi32, #tpu.memory_space<vmem>> -> memref<1x128xi32, #tpu.memory_space<vmem>>
    %dma_start3A_94 = tpu.memref_squeeze %dma_start3A_93 : memref<1x128xi32, #tpu.memory_space<vmem>> -> memref<128xi32, #tpu.memory_space<vmem>>
    %dma_start3A_95 = arith.constant 0 : i32
    %dma_start3A_96 = tpu.memref_slice %arg2[%dma_start3A_95] : memref<2097152xi32, #tpu.memory_space<hbm>> -> memref<2097152xi32, #tpu.memory_space<hbm>>
    tpu.enqueue_indirect_dma source(%dma_start3A_96 : memref<2097152xi32, #tpu.memory_space<hbm>>) target(%dma_start3A_91 : memref<128xi32, #tpu.memory_space<vmem>>) offsets(%dma_start3A_94 : memref<128xi32, #tpu.memory_space<vmem>>) semaphore(%arg14 : memref<!tpu.dma_semaphore, #tpu.memory_space<semaphore_mem>>)
    %dma_start3A_97 = arith.constant 9 : i32
    %dma_start3A_98 = arith.constant 1152 : i32
    %dma_start3A_99 = tpu.memref_slice %arg10[%dma_start3A_98] : memref<2048xi32, #tpu.memory_space<vmem>> -> memref<128xi32, #tpu.memory_space<vmem>>
    %dma_start3A_100 = arith.constant 0 : i32
    %dma_start3A_101 = tpu.memref_slice %arg8[%dma_start3A_97, %dma_start3A_100] : memref<16x128xi32, #tpu.memory_space<vmem>> -> memref<1x128xi32, #tpu.memory_space<vmem>>
    %dma_start3A_102 = tpu.memref_squeeze %dma_start3A_101 : memref<1x128xi32, #tpu.memory_space<vmem>> -> memref<128xi32, #tpu.memory_space<vmem>>
    %dma_start3A_103 = arith.constant 0 : i32
    %dma_start3A_104 = tpu.memref_slice %arg2[%dma_start3A_103] : memref<2097152xi32, #tpu.memory_space<hbm>> -> memref<2097152xi32, #tpu.memory_space<hbm>>
    tpu.enqueue_indirect_dma source(%dma_start3A_104 : memref<2097152xi32, #tpu.memory_space<hbm>>) target(%dma_start3A_99 : memref<128xi32, #tpu.memory_space<vmem>>) offsets(%dma_start3A_102 : memref<128xi32, #tpu.memory_space<vmem>>) semaphore(%arg14 : memref<!tpu.dma_semaphore, #tpu.memory_space<semaphore_mem>>)
    %dma_start3A_105 = arith.constant 10 : i32
    %dma_start3A_106 = arith.constant 1280 : i32
    %dma_start3A_107 = tpu.memref_slice %arg10[%dma_start3A_106] : memref<2048xi32, #tpu.memory_space<vmem>> -> memref<128xi32, #tpu.memory_space<vmem>>
    %dma_start3A_108 = arith.constant 0 : i32
    %dma_start3A_109 = tpu.memref_slice %arg8[%dma_start3A_105, %dma_start3A_108] : memref<16x128xi32, #tpu.memory_space<vmem>> -> memref<1x128xi32, #tpu.memory_space<vmem>>
    %dma_start3A_110 = tpu.memref_squeeze %dma_start3A_109 : memref<1x128xi32, #tpu.memory_space<vmem>> -> memref<128xi32, #tpu.memory_space<vmem>>
    %dma_start3A_111 = arith.constant 0 : i32
    %dma_start3A_112 = tpu.memref_slice %arg2[%dma_start3A_111] : memref<2097152xi32, #tpu.memory_space<hbm>> -> memref<2097152xi32, #tpu.memory_space<hbm>>
    tpu.enqueue_indirect_dma source(%dma_start3A_112 : memref<2097152xi32, #tpu.memory_space<hbm>>) target(%dma_start3A_107 : memref<128xi32, #tpu.memory_space<vmem>>) offsets(%dma_start3A_110 : memref<128xi32, #tpu.memory_space<vmem>>) semaphore(%arg14 : memref<!tpu.dma_semaphore, #tpu.memory_space<semaphore_mem>>)
    %dma_start3A_113 = arith.constant 11 : i32
    %dma_start3A_114 = arith.constant 1408 : i32
    %dma_start3A_115 = tpu.memref_slice %arg10[%dma_start3A_114] : memref<2048xi32, #tpu.memory_space<vmem>> -> memref<128xi32, #tpu.memory_space<vmem>>
    %dma_start3A_116 = arith.constant 0 : i32
    %dma_start3A_117 = tpu.memref_slice %arg8[%dma_start3A_113, %dma_start3A_116] : memref<16x128xi32, #tpu.memory_space<vmem>> -> memref<1x128xi32, #tpu.memory_space<vmem>>
    %dma_start3A_118 = tpu.memref_squeeze %dma_start3A_117 : memref<1x128xi32, #tpu.memory_space<vmem>> -> memref<128xi32, #tpu.memory_space<vmem>>
    %dma_start3A_119 = arith.constant 0 : i32
    %dma_start3A_120 = tpu.memref_slice %arg2[%dma_start3A_119] : memref<2097152xi32, #tpu.memory_space<hbm>> -> memref<2097152xi32, #tpu.memory_space<hbm>>
    tpu.enqueue_indirect_dma source(%dma_start3A_120 : memref<2097152xi32, #tpu.memory_space<hbm>>) target(%dma_start3A_115 : memref<128xi32, #tpu.memory_space<vmem>>) offsets(%dma_start3A_118 : memref<128xi32, #tpu.memory_space<vmem>>) semaphore(%arg14 : memref<!tpu.dma_semaphore, #tpu.memory_space<semaphore_mem>>)
    %dma_start3A_121 = arith.constant 12 : i32
    %dma_start3A_122 = arith.constant 1536 : i32
    %dma_start3A_123 = tpu.memref_slice %arg10[%dma_start3A_122] : memref<2048xi32, #tpu.memory_space<vmem>> -> memref<128xi32, #tpu.memory_space<vmem>>
    %dma_start3A_124 = arith.constant 0 : i32
    %dma_start3A_125 = tpu.memref_slice %arg8[%dma_start3A_121, %dma_start3A_124] : memref<16x128xi32, #tpu.memory_space<vmem>> -> memref<1x128xi32, #tpu.memory_space<vmem>>
    %dma_start3A_126 = tpu.memref_squeeze %dma_start3A_125 : memref<1x128xi32, #tpu.memory_space<vmem>> -> memref<128xi32, #tpu.memory_space<vmem>>
    %dma_start3A_127 = arith.constant 0 : i32
    %dma_start3A_128 = tpu.memref_slice %arg2[%dma_start3A_127] : memref<2097152xi32, #tpu.memory_space<hbm>> -> memref<2097152xi32, #tpu.memory_space<hbm>>
    tpu.enqueue_indirect_dma source(%dma_start3A_128 : memref<2097152xi32, #tpu.memory_space<hbm>>) target(%dma_start3A_123 : memref<128xi32, #tpu.memory_space<vmem>>) offsets(%dma_start3A_126 : memref<128xi32, #tpu.memory_space<vmem>>) semaphore(%arg14 : memref<!tpu.dma_semaphore, #tpu.memory_space<semaphore_mem>>)
    %dma_start3A_129 = arith.constant 13 : i32
    %dma_start3A_130 = arith.constant 1664 : i32
    %dma_start3A_131 = tpu.memref_slice %arg10[%dma_start3A_130] : memref<2048xi32, #tpu.memory_space<vmem>> -> memref<128xi32, #tpu.memory_space<vmem>>
    %dma_start3A_132 = arith.constant 0 : i32
    %dma_start3A_133 = tpu.memref_slice %arg8[%dma_start3A_129, %dma_start3A_132] : memref<16x128xi32, #tpu.memory_space<vmem>> -> memref<1x128xi32, #tpu.memory_space<vmem>>
    %dma_start3A_134 = tpu.memref_squeeze %dma_start3A_133 : memref<1x128xi32, #tpu.memory_space<vmem>> -> memref<128xi32, #tpu.memory_space<vmem>>
    %dma_start3A_135 = arith.constant 0 : i32
    %dma_start3A_136 = tpu.memref_slice %arg2[%dma_start3A_135] : memref<2097152xi32, #tpu.memory_space<hbm>> -> memref<2097152xi32, #tpu.memory_space<hbm>>
    tpu.enqueue_indirect_dma source(%dma_start3A_136 : memref<2097152xi32, #tpu.memory_space<hbm>>) target(%dma_start3A_131 : memref<128xi32, #tpu.memory_space<vmem>>) offsets(%dma_start3A_134 : memref<128xi32, #tpu.memory_space<vmem>>) semaphore(%arg14 : memref<!tpu.dma_semaphore, #tpu.memory_space<semaphore_mem>>)
    %dma_start3A_137 = arith.constant 14 : i32
    %dma_start3A_138 = arith.constant 1792 : i32
    %dma_start3A_139 = tpu.memref_slice %arg10[%dma_start3A_138] : memref<2048xi32, #tpu.memory_space<vmem>> -> memref<128xi32, #tpu.memory_space<vmem>>
    %dma_start3A_140 = arith.constant 0 : i32
    %dma_start3A_141 = tpu.memref_slice %arg8[%dma_start3A_137, %dma_start3A_140] : memref<16x128xi32, #tpu.memory_space<vmem>> -> memref<1x128xi32, #tpu.memory_space<vmem>>
    %dma_start3A_142 = tpu.memref_squeeze %dma_start3A_141 : memref<1x128xi32, #tpu.memory_space<vmem>> -> memref<128xi32, #tpu.memory_space<vmem>>
    %dma_start3A_143 = arith.constant 0 : i32
    %dma_start3A_144 = tpu.memref_slice %arg2[%dma_start3A_143] : memref<2097152xi32, #tpu.memory_space<hbm>> -> memref<2097152xi32, #tpu.memory_space<hbm>>
    tpu.enqueue_indirect_dma source(%dma_start3A_144 : memref<2097152xi32, #tpu.memory_space<hbm>>) target(%dma_start3A_139 : memref<128xi32, #tpu.memory_space<vmem>>) offsets(%dma_start3A_142 : memref<128xi32, #tpu.memory_space<vmem>>) semaphore(%arg14 : memref<!tpu.dma_semaphore, #tpu.memory_space<semaphore_mem>>)
    %dma_start3A_145 = arith.constant 15 : i32
    %dma_start3A_146 = arith.constant 1920 : i32
    %dma_start3A_147 = tpu.memref_slice %arg10[%dma_start3A_146] : memref<2048xi32, #tpu.memory_space<vmem>> -> memref<128xi32, #tpu.memory_space<vmem>>
    %dma_start3A_148 = arith.constant 0 : i32
    %dma_start3A_149 = tpu.memref_slice %arg8[%dma_start3A_145, %dma_start3A_148] : memref<16x128xi32, #tpu.memory_space<vmem>> -> memref<1x128xi32, #tpu.memory_space<vmem>>
    %dma_start3A_150 = tpu.memref_squeeze %dma_start3A_149 : memref<1x128xi32, #tpu.memory_space<vmem>> -> memref<128xi32, #tpu.memory_space<vmem>>
    %dma_start3A_151 = arith.constant 0 : i32
    %dma_start3A_152 = tpu.memref_slice %arg2[%dma_start3A_151] : memref<2097152xi32, #tpu.memory_space<hbm>> -> memref<2097152xi32, #tpu.memory_space<hbm>>
    tpu.enqueue_indirect_dma source(%dma_start3A_152 : memref<2097152xi32, #tpu.memory_space<hbm>>) target(%dma_start3A_147 : memref<128xi32, #tpu.memory_space<vmem>>) offsets(%dma_start3A_150 : memref<128xi32, #tpu.memory_space<vmem>>) semaphore(%arg14 : memref<!tpu.dma_semaphore, #tpu.memory_space<semaphore_mem>>)
    %broadcast_in_dim3A = arith.constant 0xFF800000 : f32
    %broadcast_in_dim3A_153 = vector.broadcast %broadcast_in_dim3A : f32 to vector<16xf32>
    %scan3A = arith.constant 0 : i32
    %scan3A_154 = arith.constant 0 : i32
    %scan3A_155 = arith.constant 32 : i32
    %scan3A_156 = arith.addi %scan3A_154, %scan3A_155 : i32
    %scan3A_157 = arith.constant 1 : i32
    scf.for %scan3A_313 = %scan3A_154 to %scan3A_156 step %scan3A_157  : i32 {
      %mul3A_314 = arith.constant 16 : i32
      %mul3A_315 = arith.muli %scan3A_313, %mul3A_314 : i32
      %swap3A_316 = arith.index_cast %mul3A_315 : i32 to index
      %swap3A_317 = tpu.vector_load %arg12[%swap3A_316] {strides = array<i32>} : memref<512xf32, #tpu.memory_space<vmem>>, vector<16xf32>,
      tpu.vector_store %arg12[%swap3A_316], %broadcast_in_dim3A_153 {strides = array<i32>} : memref<512xf32, #tpu.memory_space<vmem>>, vector<16xf32>,
    }
    %scan3A_158 = arith.constant 32 : i32
    %dma_wait3A_159 = arith.constant 0 : i32
    %dma_wait3A_160 = arith.constant 0 : i32
    %dma_wait3A_161 = tpu.memref_slice %arg4[%add3A, %dma_wait3A_159, %dma_wait3A_160] : memref<32x16x128xi32, #tpu.memory_space<hbm>> -> memref<1x16x128xi32, #tpu.memory_space<hbm>>
    %dma_wait3A_162 = tpu.memref_squeeze %dma_wait3A_161 : memref<1x16x128xi32, #tpu.memory_space<hbm>> -> memref<16x128xi32, #tpu.memory_space<hbm>>
    %dma_wait3A_163 = arith.constant 0 : i32
    %dma_wait3A_164 = arith.constant 0 : i32
    %dma_wait3A_165 = tpu.memref_slice %arg4[%add3A, %dma_wait3A_163, %dma_wait3A_164] : memref<32x16x128xi32, #tpu.memory_space<hbm>> -> memref<1x16x128xi32, #tpu.memory_space<hbm>>
    %dma_wait3A_166 = tpu.memref_squeeze %dma_wait3A_165 : memref<1x16x128xi32, #tpu.memory_space<hbm>> -> memref<16x128xi32, #tpu.memory_space<hbm>>
    tpu.wait_dma2 semaphore(%arg15 : memref<!tpu.dma_semaphore, #tpu.memory_space<semaphore_mem>>) src(%dma_wait3A_166 : memref<16x128xi32, #tpu.memory_space<hbm>>) dst(%arg9 : memref<16x128xi32, #tpu.memory_space<vmem>>)
    tpu.wait_dma2 semaphore(%arg15 : memref<!tpu.dma_semaphore, #tpu.memory_space<semaphore_mem>>) src(%arg5 : memref<2048xi32, #tpu.memory_space<hbm>>) dst(%arg11 : memref<2048xi32, #tpu.memory_space<vmem>>)
    %dma_wait3A_167 = arith.constant 0 : i32
    %dma_wait3A_168 = arith.constant 0 : i32
    %dma_wait3A_169 = tpu.memref_slice %arg10[%dma_wait3A_168] : memref<2048xi32, #tpu.memory_space<vmem>> -> memref<128xi32, #tpu.memory_space<vmem>>
    %dma_wait3A_170 = arith.constant 0 : i32
    %dma_wait3A_171 = tpu.memref_slice %arg8[%dma_wait3A_167, %dma_wait3A_170] : memref<16x128xi32, #tpu.memory_space<vmem>> -> memref<1x128xi32, #tpu.memory_space<vmem>>
    %dma_wait3A_172 = tpu.memref_squeeze %dma_wait3A_171 : memref<1x128xi32, #tpu.memory_space<vmem>> -> memref<128xi32, #tpu.memory_space<vmem>>
    %dma_wait3A_173 = arith.constant 0 : i32
    %dma_wait3A_174 = tpu.memref_slice %arg2[%dma_wait3A_173] : memref<2097152xi32, #tpu.memory_space<hbm>> -> memref<2097152xi32, #tpu.memory_space<hbm>>
    tpu.wait_indirect_dma semaphore(%arg14 : memref<!tpu.dma_semaphore, #tpu.memory_space<semaphore_mem>>) src(%dma_wait3A_174 : memref<2097152xi32, #tpu.memory_space<hbm>>) dst(%dma_wait3A_169 : memref<128xi32, #tpu.memory_space<vmem>>)
    %dma_wait3A_175 = arith.constant 1 : i32
    %dma_wait3A_176 = arith.constant 128 : i32
    %dma_wait3A_177 = tpu.memref_slice %arg10[%dma_wait3A_176] : memref<2048xi32, #tpu.memory_space<vmem>> -> memref<128xi32, #tpu.memory_space<vmem>>
    %dma_wait3A_178 = arith.constant 0 : i32
    %dma_wait3A_179 = tpu.memref_slice %arg8[%dma_wait3A_175, %dma_wait3A_178] : memref<16x128xi32, #tpu.memory_space<vmem>> -> memref<1x128xi32, #tpu.memory_space<vmem>>
    %dma_wait3A_180 = tpu.memref_squeeze %dma_wait3A_179 : memref<1x128xi32, #tpu.memory_space<vmem>> -> memref<128xi32, #tpu.memory_space<vmem>>
    %dma_wait3A_181 = arith.constant 0 : i32
    %dma_wait3A_182 = tpu.memref_slice %arg2[%dma_wait3A_181] : memref<2097152xi32, #tpu.memory_space<hbm>> -> memref<2097152xi32, #tpu.memory_space<hbm>>
    tpu.wait_indirect_dma semaphore(%arg14 : memref<!tpu.dma_semaphore, #tpu.memory_space<semaphore_mem>>) src(%dma_wait3A_182 : memref<2097152xi32, #tpu.memory_space<hbm>>) dst(%dma_wait3A_177 : memref<128xi32, #tpu.memory_space<vmem>>)
    %dma_wait3A_183 = arith.constant 2 : i32
    %dma_wait3A_184 = arith.constant 256 : i32
    %dma_wait3A_185 = tpu.memref_slice %arg10[%dma_wait3A_184] : memref<2048xi32, #tpu.memory_space<vmem>> -> memref<128xi32, #tpu.memory_space<vmem>>
    %dma_wait3A_186 = arith.constant 0 : i32
    %dma_wait3A_187 = tpu.memref_slice %arg8[%dma_wait3A_183, %dma_wait3A_186] : memref<16x128xi32, #tpu.memory_space<vmem>> -> memref<1x128xi32, #tpu.memory_space<vmem>>
    %dma_wait3A_188 = tpu.memref_squeeze %dma_wait3A_187 : memref<1x128xi32, #tpu.memory_space<vmem>> -> memref<128xi32, #tpu.memory_space<vmem>>
    %dma_wait3A_189 = arith.constant 0 : i32
    %dma_wait3A_190 = tpu.memref_slice %arg2[%dma_wait3A_189] : memref<2097152xi32, #tpu.memory_space<hbm>> -> memref<2097152xi32, #tpu.memory_space<hbm>>
    tpu.wait_indirect_dma semaphore(%arg14 : memref<!tpu.dma_semaphore, #tpu.memory_space<semaphore_mem>>) src(%dma_wait3A_190 : memref<2097152xi32, #tpu.memory_space<hbm>>) dst(%dma_wait3A_185 : memref<128xi32, #tpu.memory_space<vmem>>)
    %dma_wait3A_191 = arith.constant 3 : i32
    %dma_wait3A_192 = arith.constant 384 : i32
    %dma_wait3A_193 = tpu.memref_slice %arg10[%dma_wait3A_192] : memref<2048xi32, #tpu.memory_space<vmem>> -> memref<128xi32, #tpu.memory_space<vmem>>
    %dma_wait3A_194 = arith.constant 0 : i32
    %dma_wait3A_195 = tpu.memref_slice %arg8[%dma_wait3A_191, %dma_wait3A_194] : memref<16x128xi32, #tpu.memory_space<vmem>> -> memref<1x128xi32, #tpu.memory_space<vmem>>
    %dma_wait3A_196 = tpu.memref_squeeze %dma_wait3A_195 : memref<1x128xi32, #tpu.memory_space<vmem>> -> memref<128xi32, #tpu.memory_space<vmem>>
    %dma_wait3A_197 = arith.constant 0 : i32
    %dma_wait3A_198 = tpu.memref_slice %arg2[%dma_wait3A_197] : memref<2097152xi32, #tpu.memory_space<hbm>> -> memref<2097152xi32, #tpu.memory_space<hbm>>
    tpu.wait_indirect_dma semaphore(%arg14 : memref<!tpu.dma_semaphore, #tpu.memory_space<semaphore_mem>>) src(%dma_wait3A_198 : memref<2097152xi32, #tpu.memory_space<hbm>>) dst(%dma_wait3A_193 : memref<128xi32, #tpu.memory_space<vmem>>)
    %dma_wait3A_199 = arith.constant 4 : i32
    %dma_wait3A_200 = arith.constant 512 : i32
    %dma_wait3A_201 = tpu.memref_slice %arg10[%dma_wait3A_200] : memref<2048xi32, #tpu.memory_space<vmem>> -> memref<128xi32, #tpu.memory_space<vmem>>
    %dma_wait3A_202 = arith.constant 0 : i32
    %dma_wait3A_203 = tpu.memref_slice %arg8[%dma_wait3A_199, %dma_wait3A_202] : memref<16x128xi32, #tpu.memory_space<vmem>> -> memref<1x128xi32, #tpu.memory_space<vmem>>
    %dma_wait3A_204 = tpu.memref_squeeze %dma_wait3A_203 : memref<1x128xi32, #tpu.memory_space<vmem>> -> memref<128xi32, #tpu.memory_space<vmem>>
    %dma_wait3A_205 = arith.constant 0 : i32
    %dma_wait3A_206 = tpu.memref_slice %arg2[%dma_wait3A_205] : memref<2097152xi32, #tpu.memory_space<hbm>> -> memref<2097152xi32, #tpu.memory_space<hbm>>
    tpu.wait_indirect_dma semaphore(%arg14 : memref<!tpu.dma_semaphore, #tpu.memory_space<semaphore_mem>>) src(%dma_wait3A_206 : memref<2097152xi32, #tpu.memory_space<hbm>>) dst(%dma_wait3A_201 : memref<128xi32, #tpu.memory_space<vmem>>)
    %dma_wait3A_207 = arith.constant 5 : i32
    %dma_wait3A_208 = arith.constant 640 : i32
    %dma_wait3A_209 = tpu.memref_slice %arg10[%dma_wait3A_208] : memref<2048xi32, #tpu.memory_space<vmem>> -> memref<128xi32, #tpu.memory_space<vmem>>
    %dma_wait3A_210 = arith.constant 0 : i32
    %dma_wait3A_211 = tpu.memref_slice %arg8[%dma_wait3A_207, %dma_wait3A_210] : memref<16x128xi32, #tpu.memory_space<vmem>> -> memref<1x128xi32, #tpu.memory_space<vmem>>
    %dma_wait3A_212 = tpu.memref_squeeze %dma_wait3A_211 : memref<1x128xi32, #tpu.memory_space<vmem>> -> memref<128xi32, #tpu.memory_space<vmem>>
    %dma_wait3A_213 = arith.constant 0 : i32
    %dma_wait3A_214 = tpu.memref_slice %arg2[%dma_wait3A_213] : memref<2097152xi32, #tpu.memory_space<hbm>> -> memref<2097152xi32, #tpu.memory_space<hbm>>
    tpu.wait_indirect_dma semaphore(%arg14 : memref<!tpu.dma_semaphore, #tpu.memory_space<semaphore_mem>>) src(%dma_wait3A_214 : memref<2097152xi32, #tpu.memory_space<hbm>>) dst(%dma_wait3A_209 : memref<128xi32, #tpu.memory_space<vmem>>)
    %dma_wait3A_215 = arith.constant 6 : i32
    %dma_wait3A_216 = arith.constant 768 : i32
    %dma_wait3A_217 = tpu.memref_slice %arg10[%dma_wait3A_216] : memref<2048xi32, #tpu.memory_space<vmem>> -> memref<128xi32, #tpu.memory_space<vmem>>
    %dma_wait3A_218 = arith.constant 0 : i32
    %dma_wait3A_219 = tpu.memref_slice %arg8[%dma_wait3A_215, %dma_wait3A_218] : memref<16x128xi32, #tpu.memory_space<vmem>> -> memref<1x128xi32, #tpu.memory_space<vmem>>
    %dma_wait3A_220 = tpu.memref_squeeze %dma_wait3A_219 : memref<1x128xi32, #tpu.memory_space<vmem>> -> memref<128xi32, #tpu.memory_space<vmem>>
    %dma_wait3A_221 = arith.constant 0 : i32
    %dma_wait3A_222 = tpu.memref_slice %arg2[%dma_wait3A_221] : memref<2097152xi32, #tpu.memory_space<hbm>> -> memref<2097152xi32, #tpu.memory_space<hbm>>
    tpu.wait_indirect_dma semaphore(%arg14 : memref<!tpu.dma_semaphore, #tpu.memory_space<semaphore_mem>>) src(%dma_wait3A_222 : memref<2097152xi32, #tpu.memory_space<hbm>>) dst(%dma_wait3A_217 : memref<128xi32, #tpu.memory_space<vmem>>)
    %dma_wait3A_223 = arith.constant 7 : i32
    %dma_wait3A_224 = arith.constant 896 : i32
    %dma_wait3A_225 = tpu.memref_slice %arg10[%dma_wait3A_224] : memref<2048xi32, #tpu.memory_space<vmem>> -> memref<128xi32, #tpu.memory_space<vmem>>
    %dma_wait3A_226 = arith.constant 0 : i32
    %dma_wait3A_227 = tpu.memref_slice %arg8[%dma_wait3A_223, %dma_wait3A_226] : memref<16x128xi32, #tpu.memory_space<vmem>> -> memref<1x128xi32, #tpu.memory_space<vmem>>
    %dma_wait3A_228 = tpu.memref_squeeze %dma_wait3A_227 : memref<1x128xi32, #tpu.memory_space<vmem>> -> memref<128xi32, #tpu.memory_space<vmem>>
    %dma_wait3A_229 = arith.constant 0 : i32
    %dma_wait3A_230 = tpu.memref_slice %arg2[%dma_wait3A_229] : memref<2097152xi32, #tpu.memory_space<hbm>> -> memref<2097152xi32, #tpu.memory_space<hbm>>
    tpu.wait_indirect_dma semaphore(%arg14 : memref<!tpu.dma_semaphore, #tpu.memory_space<semaphore_mem>>) src(%dma_wait3A_230 : memref<2097152xi32, #tpu.memory_space<hbm>>) dst(%dma_wait3A_225 : memref<128xi32, #tpu.memory_space<vmem>>)
    %dma_wait3A_231 = arith.constant 8 : i32
    %dma_wait3A_232 = arith.constant 1024 : i32
    %dma_wait3A_233 = tpu.memref_slice %arg10[%dma_wait3A_232] : memref<2048xi32, #tpu.memory_space<vmem>> -> memref<128xi32, #tpu.memory_space<vmem>>
    %dma_wait3A_234 = arith.constant 0 : i32
    %dma_wait3A_235 = tpu.memref_slice %arg8[%dma_wait3A_231, %dma_wait3A_234] : memref<16x128xi32, #tpu.memory_space<vmem>> -> memref<1x128xi32, #tpu.memory_space<vmem>>
    %dma_wait3A_236 = tpu.memref_squeeze %dma_wait3A_235 : memref<1x128xi32, #tpu.memory_space<vmem>> -> memref<128xi32, #tpu.memory_space<vmem>>
    %dma_wait3A_237 = arith.constant 0 : i32
    %dma_wait3A_238 = tpu.memref_slice %arg2[%dma_wait3A_237] : memref<2097152xi32, #tpu.memory_space<hbm>> -> memref<2097152xi32, #tpu.memory_space<hbm>>
    tpu.wait_indirect_dma semaphore(%arg14 : memref<!tpu.dma_semaphore, #tpu.memory_space<semaphore_mem>>) src(%dma_wait3A_238 : memref<2097152xi32, #tpu.memory_space<hbm>>) dst(%dma_wait3A_233 : memref<128xi32, #tpu.memory_space<vmem>>)
    %dma_wait3A_239 = arith.constant 9 : i32
    %dma_wait3A_240 = arith.constant 1152 : i32
    %dma_wait3A_241 = tpu.memref_slice %arg10[%dma_wait3A_240] : memref<2048xi32, #tpu.memory_space<vmem>> -> memref<128xi32, #tpu.memory_space<vmem>>
    %dma_wait3A_242 = arith.constant 0 : i32
    %dma_wait3A_243 = tpu.memref_slice %arg8[%dma_wait3A_239, %dma_wait3A_242] : memref<16x128xi32, #tpu.memory_space<vmem>> -> memref<1x128xi32, #tpu.memory_space<vmem>>
    %dma_wait3A_244 = tpu.memref_squeeze %dma_wait3A_243 : memref<1x128xi32, #tpu.memory_space<vmem>> -> memref<128xi32, #tpu.memory_space<vmem>>
    %dma_wait3A_245 = arith.constant 0 : i32
    %dma_wait3A_246 = tpu.memref_slice %arg2[%dma_wait3A_245] : memref<2097152xi32, #tpu.memory_space<hbm>> -> memref<2097152xi32, #tpu.memory_space<hbm>>
    tpu.wait_indirect_dma semaphore(%arg14 : memref<!tpu.dma_semaphore, #tpu.memory_space<semaphore_mem>>) src(%dma_wait3A_246 : memref<2097152xi32, #tpu.memory_space<hbm>>) dst(%dma_wait3A_241 : memref<128xi32, #tpu.memory_space<vmem>>)
    %dma_wait3A_247 = arith.constant 10 : i32
    %dma_wait3A_248 = arith.constant 1280 : i32
    %dma_wait3A_249 = tpu.memref_slice %arg10[%dma_wait3A_248] : memref<2048xi32, #tpu.memory_space<vmem>> -> memref<128xi32, #tpu.memory_space<vmem>>
    %dma_wait3A_250 = arith.constant 0 : i32
    %dma_wait3A_251 = tpu.memref_slice %arg8[%dma_wait3A_247, %dma_wait3A_250] : memref<16x128xi32, #tpu.memory_space<vmem>> -> memref<1x128xi32, #tpu.memory_space<vmem>>
    %dma_wait3A_252 = tpu.memref_squeeze %dma_wait3A_251 : memref<1x128xi32, #tpu.memory_space<vmem>> -> memref<128xi32, #tpu.memory_space<vmem>>
    %dma_wait3A_253 = arith.constant 0 : i32
    %dma_wait3A_254 = tpu.memref_slice %arg2[%dma_wait3A_253] : memref<2097152xi32, #tpu.memory_space<hbm>> -> memref<2097152xi32, #tpu.memory_space<hbm>>
    tpu.wait_indirect_dma semaphore(%arg14 : memref<!tpu.dma_semaphore, #tpu.memory_space<semaphore_mem>>) src(%dma_wait3A_254 : memref<2097152xi32, #tpu.memory_space<hbm>>) dst(%dma_wait3A_249 : memref<128xi32, #tpu.memory_space<vmem>>)
    %dma_wait3A_255 = arith.constant 11 : i32
    %dma_wait3A_256 = arith.constant 1408 : i32
    %dma_wait3A_257 = tpu.memref_slice %arg10[%dma_wait3A_256] : memref<2048xi32, #tpu.memory_space<vmem>> -> memref<128xi32, #tpu.memory_space<vmem>>
    %dma_wait3A_258 = arith.constant 0 : i32
    %dma_wait3A_259 = tpu.memref_slice %arg8[%dma_wait3A_255, %dma_wait3A_258] : memref<16x128xi32, #tpu.memory_space<vmem>> -> memref<1x128xi32, #tpu.memory_space<vmem>>
    %dma_wait3A_260 = tpu.memref_squeeze %dma_wait3A_259 : memref<1x128xi32, #tpu.memory_space<vmem>> -> memref<128xi32, #tpu.memory_space<vmem>>
    %dma_wait3A_261 = arith.constant 0 : i32
    %dma_wait3A_262 = tpu.memref_slice %arg2[%dma_wait3A_261] : memref<2097152xi32, #tpu.memory_space<hbm>> -> memref<2097152xi32, #tpu.memory_space<hbm>>
    tpu.wait_indirect_dma semaphore(%arg14 : memref<!tpu.dma_semaphore, #tpu.memory_space<semaphore_mem>>) src(%dma_wait3A_262 : memref<2097152xi32, #tpu.memory_space<hbm>>) dst(%dma_wait3A_257 : memref<128xi32, #tpu.memory_space<vmem>>)
    %dma_wait3A_263 = arith.constant 12 : i32
    %dma_wait3A_264 = arith.constant 1536 : i32
    %dma_wait3A_265 = tpu.memref_slice %arg10[%dma_wait3A_264] : memref<2048xi32, #tpu.memory_space<vmem>> -> memref<128xi32, #tpu.memory_space<vmem>>
    %dma_wait3A_266 = arith.constant 0 : i32
    %dma_wait3A_267 = tpu.memref_slice %arg8[%dma_wait3A_263, %dma_wait3A_266] : memref<16x128xi32, #tpu.memory_space<vmem>> -> memref<1x128xi32, #tpu.memory_space<vmem>>
    %dma_wait3A_268 = tpu.memref_squeeze %dma_wait3A_267 : memref<1x128xi32, #tpu.memory_space<vmem>> -> memref<128xi32, #tpu.memory_space<vmem>>
    %dma_wait3A_269 = arith.constant 0 : i32
    %dma_wait3A_270 = tpu.memref_slice %arg2[%dma_wait3A_269] : memref<2097152xi32, #tpu.memory_space<hbm>> -> memref<2097152xi32, #tpu.memory_space<hbm>>
    tpu.wait_indirect_dma semaphore(%arg14 : memref<!tpu.dma_semaphore, #tpu.memory_space<semaphore_mem>>) src(%dma_wait3A_270 : memref<2097152xi32, #tpu.memory_space<hbm>>) dst(%dma_wait3A_265 : memref<128xi32, #tpu.memory_space<vmem>>)
    %dma_wait3A_271 = arith.constant 13 : i32
    %dma_wait3A_272 = arith.constant 1664 : i32
    %dma_wait3A_273 = tpu.memref_slice %arg10[%dma_wait3A_272] : memref<2048xi32, #tpu.memory_space<vmem>> -> memref<128xi32, #tpu.memory_space<vmem>>
    %dma_wait3A_274 = arith.constant 0 : i32
    %dma_wait3A_275 = tpu.memref_slice %arg8[%dma_wait3A_271, %dma_wait3A_274] : memref<16x128xi32, #tpu.memory_space<vmem>> -> memref<1x128xi32, #tpu.memory_space<vmem>>
    %dma_wait3A_276 = tpu.memref_squeeze %dma_wait3A_275 : memref<1x128xi32, #tpu.memory_space<vmem>> -> memref<128xi32, #tpu.memory_space<vmem>>
    %dma_wait3A_277 = arith.constant 0 : i32
    %dma_wait3A_278 = tpu.memref_slice %arg2[%dma_wait3A_277] : memref<2097152xi32, #tpu.memory_space<hbm>> -> memref<2097152xi32, #tpu.memory_space<hbm>>
    tpu.wait_indirect_dma semaphore(%arg14 : memref<!tpu.dma_semaphore, #tpu.memory_space<semaphore_mem>>) src(%dma_wait3A_278 : memref<2097152xi32, #tpu.memory_space<hbm>>) dst(%dma_wait3A_273 : memref<128xi32, #tpu.memory_space<vmem>>)
    %dma_wait3A_279 = arith.constant 14 : i32
    %dma_wait3A_280 = arith.constant 1792 : i32
    %dma_wait3A_281 = tpu.memref_slice %arg10[%dma_wait3A_280] : memref<2048xi32, #tpu.memory_space<vmem>> -> memref<128xi32, #tpu.memory_space<vmem>>
    %dma_wait3A_282 = arith.constant 0 : i32
    %dma_wait3A_283 = tpu.memref_slice %arg8[%dma_wait3A_279, %dma_wait3A_282] : memref<16x128xi32, #tpu.memory_space<vmem>> -> memref<1x128xi32, #tpu.memory_space<vmem>>
    %dma_wait3A_284 = tpu.memref_squeeze %dma_wait3A_283 : memref<1x128xi32, #tpu.memory_space<vmem>> -> memref<128xi32, #tpu.memory_space<vmem>>
    %dma_wait3A_285 = arith.constant 0 : i32
    %dma_wait3A_286 = tpu.memref_slice %arg2[%dma_wait3A_285] : memref<2097152xi32, #tpu.memory_space<hbm>> -> memref<2097152xi32, #tpu.memory_space<hbm>>
    tpu.wait_indirect_dma semaphore(%arg14 : memref<!tpu.dma_semaphore, #tpu.memory_space<semaphore_mem>>) src(%dma_wait3A_286 : memref<2097152xi32, #tpu.memory_space<hbm>>) dst(%dma_wait3A_281 : memref<128xi32, #tpu.memory_space<vmem>>)
    %dma_wait3A_287 = arith.constant 15 : i32
    %dma_wait3A_288 = arith.constant 1920 : i32
    %dma_wait3A_289 = tpu.memref_slice %arg10[%dma_wait3A_288] : memref<2048xi32, #tpu.memory_space<vmem>> -> memref<128xi32, #tpu.memory_space<vmem>>
    %dma_wait3A_290 = arith.constant 0 : i32
    %dma_wait3A_291 = tpu.memref_slice %arg8[%dma_wait3A_287, %dma_wait3A_290] : memref<16x128xi32, #tpu.memory_space<vmem>> -> memref<1x128xi32, #tpu.memory_space<vmem>>
    %dma_wait3A_292 = tpu.memref_squeeze %dma_wait3A_291 : memref<1x128xi32, #tpu.memory_space<vmem>> -> memref<128xi32, #tpu.memory_space<vmem>>
    %dma_wait3A_293 = arith.constant 0 : i32
    %dma_wait3A_294 = tpu.memref_slice %arg2[%dma_wait3A_293] : memref<2097152xi32, #tpu.memory_space<hbm>> -> memref<2097152xi32, #tpu.memory_space<hbm>>
    tpu.wait_indirect_dma semaphore(%arg14 : memref<!tpu.dma_semaphore, #tpu.memory_space<semaphore_mem>>) src(%dma_wait3A_294 : memref<2097152xi32, #tpu.memory_space<hbm>>) dst(%dma_wait3A_289 : memref<128xi32, #tpu.memory_space<vmem>>)
    %scan3A_295 = arith.constant 0 : i32
    %scan3A_296 = arith.constant 0 : i32
    %scan3A_297 = arith.constant 128 : i32
    %scan3A_298 = arith.addi %scan3A_296, %scan3A_297 : i32
    %scan3A_299 = arith.constant 1 : i32
    %scan3A_300 = scf.for %scan3A_313 = %scan3A_296 to %scan3A_298 step %scan3A_299 iter_args(%scan3A_314 = %scan3A_295) -> (i32)  : i32 {
      %mul3A_315 = arith.constant 16 : i32
      %mul3A_316 = arith.muli %scan3A_313, %mul3A_315 : i32
      %get3A = arith.index_cast %mul3A_316 : i32 to index
      %get3A_317 = tpu.vector_load %arg10[%get3A] {strides = array<i32>} : memref<2048xi32, #tpu.memory_space<vmem>>, vector<16xi32>,
      %shift_right_arithmetic3A = arith.constant 3 : i32
      %shift_right_arithmetic3A_318 = arith.shrsi %scan3A_313, %shift_right_arithmetic3A : i32
      %and3A = arith.constant 7 : i32
      %and3A_319 = arith.andi %scan3A_313, %and3A : i32
      %mul3A_320 = arith.constant 16 : i32
      %mul3A_321 = arith.muli %and3A_319, %mul3A_320 : i32
      %get3A_322 = arith.index_cast %shift_right_arithmetic3A_318 : i32 to index
      %get3A_323 = arith.index_cast %mul3A_321 : i32 to index
      %get3A_324 = tpu.vector_load %arg9[%get3A_322, %get3A_323] {strides = array<i32>} : memref<16x128xi32, #tpu.memory_space<vmem>>, vector<16xi32>,
      %and3A_325 = arith.constant 2047 : i32
      %and3A_326 = vector.broadcast %and3A_325 : i32 to vector<16xi32>
      %and3A_327 = arith.andi %get3A_324, %and3A_326 : vector<16xi32>
      %shift_right_arithmetic3A_328 = arith.constant 11 : i32
      %shift_right_arithmetic3A_329 = vector.broadcast %shift_right_arithmetic3A_328 : i32 to vector<16xi32>
      %shift_right_arithmetic3A_330 = arith.shrsi %get3A_324, %shift_right_arithmetic3A_329 : vector<16xi32>
      %shift_right_arithmetic3A_331 = arith.constant 10 : i32
      %shift_right_arithmetic3A_332 = vector.broadcast %shift_right_arithmetic3A_331 : i32 to vector<16xi32>
      %shift_right_arithmetic3A_333 = arith.shrsi %shift_right_arithmetic3A_330, %shift_right_arithmetic3A_332 : vector<16xi32>
      %and3A_334 = arith.constant 1 : i32
      %and3A_335 = vector.broadcast %and3A_334 : i32 to vector<16xi32>
      %and3A_336 = arith.andi %shift_right_arithmetic3A_333, %and3A_335 : vector<16xi32>
      %mul3A_337 = arith.constant 16 : i32
      %mul3A_338 = vector.broadcast %mul3A_337 : i32 to vector<16xi32>
      %mul3A_339 = arith.muli %and3A_336, %mul3A_338 : vector<16xi32>
      %shift_right_arithmetic3A_340 = arith.shrsi %get3A_317, %mul3A_339 : vector<16xi32>
      %shift_left3A = arith.constant 16 : i32
      %shift_left3A_341 = vector.broadcast %shift_left3A : i32 to vector<16xi32>
      %shift_left3A_342 = arith.shli %shift_right_arithmetic3A_340, %shift_left3A_341 : vector<16xi32>
      %bitcast3A = vector.bitcast %shift_left3A_342 : vector<16xi32> to vector<16xf32>
      %gather3A = tpu.vector_load_idx %arg11[%and3A_327] : memref<2048xi32, #tpu.memory_space<vmem>>[vector<16xi32>], vector<16xi32>,
      %gather3A_343 = tpu.vector_load_idx %arg11[%shift_right_arithmetic3A_330] : memref<2048xi32, #tpu.memory_space<vmem>>[vector<16xi32>], vector<16xi32>,
      %eq3A = arith.cmpi eq, %gather3A, %gather3A_343 : vector<16xi32>
      %sub3A = arith.constant 1.000000e+00 : f32
      %sub3A_344 = vector.broadcast %sub3A : f32 to vector<16xf32>
      %sub3A_345 = arith.subf %sub3A_344, %bitcast3A : vector<16xf32>
      %gt3A = arith.constant 9.99999997E-7 : f32
      %gt3A_346 = vector.broadcast %gt3A : f32 to vector<16xf32>
      %gt3A_347 = arith.cmpf ogt, %sub3A_345, %gt3A_346 : vector<16xf32>
      %and3A_348 = arith.andi %eq3A, %gt3A_347 : vector<16xi1>
      %swap3A_349 = arith.index_cast %scan3A_314 : i32 to index
      %swap3A_350 = tpu.vector_load %arg12[%swap3A_349] masked %and3A_348 {strides = array<i32>} : memref<512xf32, #tpu.memory_space<vmem>>, vector<16xf32>, vector<16xi1>
      tpu.vector_store %arg12[%swap3A_349], %sub3A_345 masked %and3A_348 {strides = array<i32>} : memref<512xf32, #tpu.memory_space<vmem>>, vector<16xf32>, vector<16xi1>
      %convert_element_type3A = arith.extui %and3A_348 : vector<16xi1> to vector<16xi32>
      %reduce_sum3A = arith.constant true
      %reduce_sum3A_351 = vector.broadcast %reduce_sum3A : i1 to vector<16xi1>
      %reduce_sum3A_352 = tpu.scan <sum>, %convert_element_type3A masked %reduce_sum3A_351 : vector<16xi32>, vector<16xi1> -> vector<16xi32>
      %reduce_sum3A_353 = vector.extract %reduce_sum3A_352[15] : i32 from vector<16xi32>
      %sub3A_354 = arith.constant 5.000000e-01 : f32
      %sub3A_355 = vector.broadcast %sub3A_354 : f32 to vector<16xf32>
      %sub3A_356 = arith.subf %sub3A_355, %sub3A_345 : vector<16xf32>
      %jit3A = arith.constant 0xFF800000 : f32
      %broadcast_in_dim3A_357 = vector.broadcast %jit3A : f32 to vector<16xf32>
      %select_n3A = arith.select %eq3A, %broadcast_in_dim3A_357, %sub3A_356 : vector<16xi1>, vector<16xf32>
      %swap3A_358 = arith.index_cast %mul3A_316 : i32 to index
      %swap3A_359 = tpu.vector_load %arg13[%swap3A_358] {strides = array<i32>} : memref<2048xf32, #tpu.memory_space<vmem>>, vector<16xf32>,
      tpu.vector_store %arg13[%swap3A_358], %select_n3A {strides = array<i32>} : memref<2048xf32, #tpu.memory_space<vmem>>, vector<16xf32>,
      %add3A_360 = arith.addi %scan3A_314, %reduce_sum3A_353 : i32
      %min3A = arith.constant 496 : i32
      %min3A_361 = arith.minsi %add3A_360, %min3A : i32
      scf.yield %min3A_361 : i32
    }
    %scan3A_301 = arith.constant 128 : i32
    %swap3A = arith.index_cast %scan3A_300 : i32 to index
    %swap3A_302 = tpu.vector_load %arg12[%swap3A] {strides = array<i32>} : memref<512xf32, #tpu.memory_space<vmem>>, vector<16xf32>,
    tpu.vector_store %arg12[%swap3A], %broadcast_in_dim3A_153 {strides = array<i32>} : memref<512xf32, #tpu.memory_space<vmem>>, vector<16xf32>,
    %mul3A_303 = arith.constant 512 : i32
    %mul3A_304 = arith.muli %add3A, %mul3A_303 : i32
    %dma_start3A_305 = tpu.memref_slice %arg6[%mul3A_304] : memref<16384xf32, #tpu.memory_space<hbm>> -> memref<512xf32, #tpu.memory_space<hbm>>
    %dma_start3A_306 = tpu.memref_slice %arg6[%mul3A_304] : memref<16384xf32, #tpu.memory_space<hbm>> -> memref<512xf32, #tpu.memory_space<hbm>>
    tpu.enqueue_dma source(%arg12 : memref<512xf32, #tpu.memory_space<vmem>>) target(%dma_start3A_306 : memref<512xf32, #tpu.memory_space<hbm>>) target_semaphore(%arg14 : memref<!tpu.dma_semaphore, #tpu.memory_space<semaphore_mem>>)
    %dma_start3A_307 = tpu.memref_slice %arg7[%mul3A_2] : memref<65536xf32, #tpu.memory_space<hbm>> -> memref<2048xf32, #tpu.memory_space<hbm>>
    %dma_start3A_308 = tpu.memref_slice %arg7[%mul3A_2] : memref<65536xf32, #tpu.memory_space<hbm>> -> memref<2048xf32, #tpu.memory_space<hbm>>
    tpu.enqueue_dma source(%arg13 : memref<2048xf32, #tpu.memory_space<vmem>>) target(%dma_start3A_308 : memref<2048xf32, #tpu.memory_space<hbm>>) target_semaphore(%arg15 : memref<!tpu.dma_semaphore, #tpu.memory_space<semaphore_mem>>)
    %dma_wait3A_309 = tpu.memref_slice %arg6[%mul3A_304] : memref<16384xf32, #tpu.memory_space<hbm>> -> memref<512xf32, #tpu.memory_space<hbm>>
    %dma_wait3A_310 = tpu.memref_slice %arg6[%mul3A_304] : memref<16384xf32, #tpu.memory_space<hbm>> -> memref<512xf32, #tpu.memory_space<hbm>>
    tpu.wait_dma2 semaphore(%arg14 : memref<!tpu.dma_semaphore, #tpu.memory_space<semaphore_mem>>) src(%arg12 : memref<512xf32, #tpu.memory_space<vmem>>) dst(%dma_wait3A_310 : memref<512xf32, #tpu.memory_space<hbm>>)
    %dma_wait3A_311 = tpu.memref_slice %arg7[%mul3A_2] : memref<65536xf32, #tpu.memory_space<hbm>> -> memref<2048xf32, #tpu.memory_space<hbm>>
    %dma_wait3A_312 = tpu.memref_slice %arg7[%mul3A_2] : memref<65536xf32, #tpu.memory_space<hbm>> -> memref<2048xf32, #tpu.memory_space<hbm>>
    tpu.wait_dma2 semaphore(%arg15 : memref<!tpu.dma_semaphore, #tpu.memory_space<semaphore_mem>>) src(%arg13 : memref<2048xf32, #tpu.memory_space<vmem>>) dst(%dma_wait3A_312 : memref<2048xf32, #tpu.memory_space<hbm>>)
    return
  }
}

module attributes {stable_mosaic.version = 14 : i64} {
  func.func @_gram_body(%arg0: i32, %arg1: memref<1024x512xf32, #tpu.memory_space<vmem>>, %arg2: memref<2048x512xf32, #tpu.memory_space<vmem>>, %arg3: memref<8x1024x128xi32, #tpu.memory_space<vmem>>) attributes {dimension_semantics = [#tpu.dimension_semantics<arbitrary>], iteration_bounds = array<i64: 2>, scalar_prefetch = 0 : i64, scratch_operands = 0 : i64, tpu.core_type = #tpu.core_type<tc>, window_params = [{transform_indices = @transform_0, window_bounds = array<i64: 1024, 512>}, {pipeline_mode = #tpu.pipeline_mode<synchronous>, transform_indices = @transform_1, window_bounds = array<i64: 2048, 512>}, {transform_indices = @transform_2, window_bounds = array<i64: 8, 1024, 128>}]} {
    %get3A = arith.constant 0 : index
    %get3A_0 = arith.constant 0 : index
    %get3A_1 = vector.load %arg1[%get3A, %get3A_0] : memref<1024x512xf32, #tpu.memory_space<vmem>>, vector<1024x512xf32>
    %get3A_2 = arith.constant 0 : index
    %get3A_3 = arith.constant 0 : index
    %get3A_4 = vector.load %arg2[%get3A_2, %get3A_3] : memref<2048x512xf32, #tpu.memory_space<vmem>>, vector<2048x512xf32>
    %mul3A = arith.mulf %get3A_1, %get3A_1 : vector<1024x512xf32>
    %reduce_sum3A = arith.constant dense<0.000000e+00> : vector<1024xf32>
    %reduce_sum3A_5 = vector.multi_reduction <add>, %mul3A, %reduce_sum3A [1] : vector<1024x512xf32> to vector<1024xf32>
    %broadcast_in_dim3A = vector.shape_cast %reduce_sum3A_5 : vector<1024xf32> to vector<1024x1xf32>
    %sqrt3A = math.sqrt %broadcast_in_dim3A : vector<1024x1xf32>
    %max3A = arith.constant 9.99999996E-13 : f32
    %max3A_6 = vector.broadcast %max3A : f32 to vector<1024x1xf32>
    %max3A_7 = arith.maximumf %sqrt3A, %max3A_6 : vector<1024x1xf32>
    %mul3A_8 = arith.mulf %get3A_4, %get3A_4 : vector<2048x512xf32>
    %reduce_sum3A_9 = arith.constant dense<0.000000e+00> : vector<2048xf32>
    %reduce_sum3A_10 = vector.multi_reduction <add>, %mul3A_8, %reduce_sum3A_9 [1] : vector<2048x512xf32> to vector<2048xf32>
    %broadcast_in_dim3A_11 = vector.shape_cast %reduce_sum3A_10 : vector<2048xf32> to vector<2048x1xf32>
    %sqrt3A_12 = math.sqrt %broadcast_in_dim3A_11 : vector<2048x1xf32>
    %max3A_13 = arith.constant 9.99999996E-13 : f32
    %max3A_14 = vector.broadcast %max3A_13 : f32 to vector<2048x1xf32>
    %max3A_15 = arith.maximumf %sqrt3A_12, %max3A_14 : vector<2048x1xf32>
    %div3A = vector.broadcast %max3A_7 : vector<1024x1xf32> to vector<1024x512xf32>
    %div3A_16 = arith.divf %get3A_1, %div3A : vector<1024x512xf32>
    %convert_element_type3A = arith.truncf %div3A_16 : vector<1024x512xf32> to vector<1024x512xbf16>
    %div3A_17 = vector.broadcast %max3A_15 : vector<2048x1xf32> to vector<2048x512xf32>
    %div3A_18 = arith.divf %get3A_4, %div3A_17 : vector<2048x512xf32>
    %convert_element_type3A_19 = arith.truncf %div3A_18 : vector<2048x512xf32> to vector<2048x512xbf16>
    %dot_general3A = arith.constant dense<0.000000e+00> : vector<1024x2048xf32>
    %dot_general3A_20 = tpu.matmul %convert_element_type3A, %convert_element_type3A_19, %dot_general3A {dimension_numbers = #tpu.dot_dimension_numbers<[1], [1], [0], [0], [0, 0, 1, 0], [], []>, transpose_lhs_hint = false} : vector<1024x512xbf16>, vector<2048x512xbf16>, vector<1024x2048xf32> -> vector<1024x2048xf32>
    %convert_element_type3A_21 = arith.truncf %dot_general3A_20 : vector<1024x2048xf32> to vector<1024x2048xbf16>
    %slice3A = vector.extract_strided_slice %convert_element_type3A_21 {offsets = [0, 0], sizes = [1024, 1024], strides = [1, 1]} : vector<1024x2048xbf16> to vector<1024x1024xbf16>
    %bitcast_convert_type3A = tpu.bitcast %slice3A : vector<1024x1024xbf16> -> vector<1024x1024xi16>
    %slice3A_22 = vector.extract_strided_slice %convert_element_type3A_21 {offsets = [0, 1024], sizes = [1024, 1024], strides = [1, 1]} : vector<1024x2048xbf16> to vector<1024x1024xbf16>
    %bitcast_convert_type3A_23 = tpu.bitcast %slice3A_22 : vector<1024x1024xbf16> -> vector<1024x1024xi16>
    %convert_element_type3A_24 = arith.extui %bitcast_convert_type3A : vector<1024x1024xi16> to vector<1024x1024xi32>
    %convert_element_type3A_25 = arith.extui %bitcast_convert_type3A_23 : vector<1024x1024xi16> to vector<1024x1024xi32>
    %shift_left3A = arith.constant 16 : i32
    %shift_left3A_26 = vector.broadcast %shift_left3A : i32 to vector<1024x1024xi32>
    %shift_left3A_27 = arith.shli %convert_element_type3A_25, %shift_left3A_26 : vector<1024x1024xi32>
    %or3A = arith.ori %convert_element_type3A_24, %shift_left3A_27 : vector<1024x1024xi32>
    %slice3A_28 = vector.extract_strided_slice %or3A {offsets = [0, 0], sizes = [1024, 128], strides = [1, 1]} : vector<1024x1024xi32> to vector<1024x128xi32>
    %swap3A = arith.constant 0 : index
    %swap3A_29 = arith.constant 0 : index
    %swap3A_30 = arith.constant 0 : index
    %swap3A_31 = vector.load %arg3[%swap3A, %swap3A_29, %swap3A_30] : memref<8x1024x128xi32, #tpu.memory_space<vmem>>, vector<1x1024x128xi32>
    %swap3A_32 = vector.shape_cast %swap3A_31 : vector<1x1024x128xi32> to vector<1024x128xi32>
    %swap3A_33 = vector.shape_cast %slice3A_28 : vector<1024x128xi32> to vector<1x1024x128xi32>
    tpu.vector_store %arg3[%swap3A, %swap3A_29, %swap3A_30], %swap3A_33 {strides = array<i32>} : memref<8x1024x128xi32, #tpu.memory_space<vmem>>, vector<1x1024x128xi32>,
    %slice3A_34 = vector.extract_strided_slice %or3A {offsets = [0, 128], sizes = [1024, 128], strides = [1, 1]} : vector<1024x1024xi32> to vector<1024x128xi32>
    %swap3A_35 = arith.constant 1 : index
    %swap3A_36 = arith.constant 0 : index
    %swap3A_37 = arith.constant 0 : index
    %swap3A_38 = vector.load %arg3[%swap3A_35, %swap3A_36, %swap3A_37] : memref<8x1024x128xi32, #tpu.memory_space<vmem>>, vector<1x1024x128xi32>
    %swap3A_39 = vector.shape_cast %swap3A_38 : vector<1x1024x128xi32> to vector<1024x128xi32>
    %swap3A_40 = vector.shape_cast %slice3A_34 : vector<1024x128xi32> to vector<1x1024x128xi32>
    tpu.vector_store %arg3[%swap3A_35, %swap3A_36, %swap3A_37], %swap3A_40 {strides = array<i32>} : memref<8x1024x128xi32, #tpu.memory_space<vmem>>, vector<1x1024x128xi32>,
    %slice3A_41 = vector.extract_strided_slice %or3A {offsets = [0, 256], sizes = [1024, 128], strides = [1, 1]} : vector<1024x1024xi32> to vector<1024x128xi32>
    %swap3A_42 = arith.constant 2 : index
    %swap3A_43 = arith.constant 0 : index
    %swap3A_44 = arith.constant 0 : index
    %swap3A_45 = vector.load %arg3[%swap3A_42, %swap3A_43, %swap3A_44] : memref<8x1024x128xi32, #tpu.memory_space<vmem>>, vector<1x1024x128xi32>
    %swap3A_46 = vector.shape_cast %swap3A_45 : vector<1x1024x128xi32> to vector<1024x128xi32>
    %swap3A_47 = vector.shape_cast %slice3A_41 : vector<1024x128xi32> to vector<1x1024x128xi32>
    tpu.vector_store %arg3[%swap3A_42, %swap3A_43, %swap3A_44], %swap3A_47 {strides = array<i32>} : memref<8x1024x128xi32, #tpu.memory_space<vmem>>, vector<1x1024x128xi32>,
    %slice3A_48 = vector.extract_strided_slice %or3A {offsets = [0, 384], sizes = [1024, 128], strides = [1, 1]} : vector<1024x1024xi32> to vector<1024x128xi32>
    %swap3A_49 = arith.constant 3 : index
    %swap3A_50 = arith.constant 0 : index
    %swap3A_51 = arith.constant 0 : index
    %swap3A_52 = vector.load %arg3[%swap3A_49, %swap3A_50, %swap3A_51] : memref<8x1024x128xi32, #tpu.memory_space<vmem>>, vector<1x1024x128xi32>
    %swap3A_53 = vector.shape_cast %swap3A_52 : vector<1x1024x128xi32> to vector<1024x128xi32>
    %swap3A_54 = vector.shape_cast %slice3A_48 : vector<1024x128xi32> to vector<1x1024x128xi32>
    tpu.vector_store %arg3[%swap3A_49, %swap3A_50, %swap3A_51], %swap3A_54 {strides = array<i32>} : memref<8x1024x128xi32, #tpu.memory_space<vmem>>, vector<1x1024x128xi32>,
    %slice3A_55 = vector.extract_strided_slice %or3A {offsets = [0, 512], sizes = [1024, 128], strides = [1, 1]} : vector<1024x1024xi32> to vector<1024x128xi32>
    %swap3A_56 = arith.constant 4 : index
    %swap3A_57 = arith.constant 0 : index
    %swap3A_58 = arith.constant 0 : index
    %swap3A_59 = vector.load %arg3[%swap3A_56, %swap3A_57, %swap3A_58] : memref<8x1024x128xi32, #tpu.memory_space<vmem>>, vector<1x1024x128xi32>
    %swap3A_60 = vector.shape_cast %swap3A_59 : vector<1x1024x128xi32> to vector<1024x128xi32>
    %swap3A_61 = vector.shape_cast %slice3A_55 : vector<1024x128xi32> to vector<1x1024x128xi32>
    tpu.vector_store %arg3[%swap3A_56, %swap3A_57, %swap3A_58], %swap3A_61 {strides = array<i32>} : memref<8x1024x128xi32, #tpu.memory_space<vmem>>, vector<1x1024x128xi32>,
    %slice3A_62 = vector.extract_strided_slice %or3A {offsets = [0, 640], sizes = [1024, 128], strides = [1, 1]} : vector<1024x1024xi32> to vector<1024x128xi32>
    %swap3A_63 = arith.constant 5 : index
    %swap3A_64 = arith.constant 0 : index
    %swap3A_65 = arith.constant 0 : index
    %swap3A_66 = vector.load %arg3[%swap3A_63, %swap3A_64, %swap3A_65] : memref<8x1024x128xi32, #tpu.memory_space<vmem>>, vector<1x1024x128xi32>
    %swap3A_67 = vector.shape_cast %swap3A_66 : vector<1x1024x128xi32> to vector<1024x128xi32>
    %swap3A_68 = vector.shape_cast %slice3A_62 : vector<1024x128xi32> to vector<1x1024x128xi32>
    tpu.vector_store %arg3[%swap3A_63, %swap3A_64, %swap3A_65], %swap3A_68 {strides = array<i32>} : memref<8x1024x128xi32, #tpu.memory_space<vmem>>, vector<1x1024x128xi32>,
    %slice3A_69 = vector.extract_strided_slice %or3A {offsets = [0, 768], sizes = [1024, 128], strides = [1, 1]} : vector<1024x1024xi32> to vector<1024x128xi32>
    %swap3A_70 = arith.constant 6 : index
    %swap3A_71 = arith.constant 0 : index
    %swap3A_72 = arith.constant 0 : index
    %swap3A_73 = vector.load %arg3[%swap3A_70, %swap3A_71, %swap3A_72] : memref<8x1024x128xi32, #tpu.memory_space<vmem>>, vector<1x1024x128xi32>
    %swap3A_74 = vector.shape_cast %swap3A_73 : vector<1x1024x128xi32> to vector<1024x128xi32>
    %swap3A_75 = vector.shape_cast %slice3A_69 : vector<1024x128xi32> to vector<1x1024x128xi32>
    tpu.vector_store %arg3[%swap3A_70, %swap3A_71, %swap3A_72], %swap3A_75 {strides = array<i32>} : memref<8x1024x128xi32, #tpu.memory_space<vmem>>, vector<1x1024x128xi32>,
    %slice3A_76 = vector.extract_strided_slice %or3A {offsets = [0, 896], sizes = [1024, 128], strides = [1, 1]} : vector<1024x1024xi32> to vector<1024x128xi32>
    %swap3A_77 = arith.constant 7 : index
    %swap3A_78 = arith.constant 0 : index
    %swap3A_79 = arith.constant 0 : index
    %swap3A_80 = vector.load %arg3[%swap3A_77, %swap3A_78, %swap3A_79] : memref<8x1024x128xi32, #tpu.memory_space<vmem>>, vector<1x1024x128xi32>
    %swap3A_81 = vector.shape_cast %swap3A_80 : vector<1x1024x128xi32> to vector<1024x128xi32>
    %swap3A_82 = vector.shape_cast %slice3A_76 : vector<1024x128xi32> to vector<1x1024x128xi32>
    tpu.vector_store %arg3[%swap3A_77, %swap3A_78, %swap3A_79], %swap3A_82 {strides = array<i32>} : memref<8x1024x128xi32, #tpu.memory_space<vmem>>, vector<1x1024x128xi32>,
    return
  }
  func.func @transform_0(%arg0: i32) -> (i32, i32) {
    %c0_i32 = arith.constant 0 : i32
    %c0_i32_0 = arith.constant 0 : i32
    return %arg0, %c0_i32 : i32, i32
  }
  func.func @transform_1(%arg0: i32) -> (i32, i32) {
    %c0_i32 = arith.constant 0 : i32
    %c0_i32_0 = arith.constant 0 : i32
    %c0_i32_1 = arith.constant 0 : i32
    return %c0_i32, %c0_i32_0 : i32, i32
  }
  func.func @transform_2(%arg0: i32) -> (i32, i32, i32) {
    %c0_i32 = arith.constant 0 : i32
    %c0_i32_0 = arith.constant 0 : i32
    %c0_i32_1 = arith.constant 0 : i32
    return %c0_i32, %arg0, %c0_i32_0 : i32, i32, i32
  }
}

module attributes {stable_mosaic.version = 14 : i64} {
  func.func @_select_body(%arg0: memref<128x128xf32, #tpu.memory_space<vmem>>, %arg1: memref<512x128xf32, #tpu.memory_space<vmem>>, %arg2: memref<1x1xf32, #tpu.memory_space<smem>>) attributes {dimension_semantics = [], scalar_prefetch = 0 : i64, scratch_operands = 0 : i64, tpu.core_type = #tpu.core_type<tc>} {
    %get3A = arith.constant 0 : index
    %get3A_0 = arith.constant 0 : index
    %get3A_1 = vector.load %arg0[%get3A, %get3A_0] : memref<128x128xf32, #tpu.memory_space<vmem>>, vector<128x128xf32>
    %get3A_2 = arith.constant 0 : index
    %get3A_3 = arith.constant 0 : index
    %get3A_4 = vector.load %arg1[%get3A_2, %get3A_3] : memref<512x128xf32, #tpu.memory_space<vmem>>, vector<512x128xf32>
    %gt3A = arith.constant 0xFF800000 : f32
    %gt3A_5 = vector.broadcast %gt3A : f32 to vector<128x128xf32>
    %gt3A_6 = arith.cmpf ogt, %get3A_1, %gt3A_5 : vector<128x128xf32>
    %convert_element_type3A = arith.extui %gt3A_6 : vector<128x128xi1> to vector<128x128xi32>
    %reduce_sum3A = vector.shape_cast %convert_element_type3A : vector<128x128xi32> to vector<1x128x128xi32>
    %reduce_sum3A_7 = arith.constant dense<0> : vector<1xi32>
    %reduce_sum3A_8 = vector.multi_reduction <add>, %reduce_sum3A, %reduce_sum3A_7 [1, 2] : vector<1x128x128xi32> to vector<1xi32>
    %reduce_sum3A_9 = vector.shape_cast %reduce_sum3A_8 : vector<1xi32> to vector<1x1x1xi32>
    %reduce_sum3A_10 = vector.extract %reduce_sum3A_9[0, 0, 0] : i32 from vector<1x1x1xi32>
    %jit3A = arith.constant 2 : i32
    %div3A = arith.divsi %reduce_sum3A_10, %jit3A : i32
    %sign3A = arith.constant 0 : i32
    %sign3A_11 = arith.cmpi sgt, %reduce_sum3A_10, %sign3A : i32
    %sign3A_12 = arith.extui %sign3A_11 : i1 to i32
    %sign3A_13 = arith.constant 0 : i32
    %sign3A_14 = arith.cmpi slt, %reduce_sum3A_10, %sign3A_13 : i32
    %sign3A_15 = arith.extui %sign3A_14 : i1 to i32
    %sign3A_16 = arith.subi %sign3A_12, %sign3A_15 : i32
    %sign3A_17 = arith.constant 0 : i32
    %sign3A_18 = arith.cmpi sgt, %jit3A, %sign3A_17 : i32
    %sign3A_19 = arith.extui %sign3A_18 : i1 to i32
    %sign3A_20 = arith.constant 0 : i32
    %sign3A_21 = arith.cmpi slt, %jit3A, %sign3A_20 : i32
    %sign3A_22 = arith.extui %sign3A_21 : i1 to i32
    %sign3A_23 = arith.subi %sign3A_19, %sign3A_22 : i32
    %ne3A = arith.cmpi ne, %sign3A_16, %sign3A_23 : i32
    %rem3A = arith.remsi %reduce_sum3A_10, %jit3A : i32
    %ne3A_24 = arith.constant 0 : i32
    %ne3A_25 = arith.cmpi ne, %rem3A, %ne3A_24 : i32
    %and3A = arith.andi %ne3A, %ne3A_25 : i1
    %sub3A = arith.constant 1 : i32
    %sub3A_26 = arith.subi %div3A, %sub3A : i32
    %select_n3A = arith.select %and3A, %sub3A_26, %div3A : i32
    %gt3A_27 = arith.constant 0xFF800000 : f32
    %gt3A_28 = vector.broadcast %gt3A_27 : f32 to vector<512x128xf32>
    %gt3A_29 = arith.cmpf ogt, %get3A_4, %gt3A_28 : vector<512x128xf32>
    %convert_element_type3A_30 = arith.extui %gt3A_29 : vector<512x128xi1> to vector<512x128xi32>
    %reduce_sum3A_31 = vector.shape_cast %convert_element_type3A_30 : vector<512x128xi32> to vector<1x512x128xi32>
    %reduce_sum3A_32 = arith.constant dense<0> : vector<1xi32>
    %reduce_sum3A_33 = vector.multi_reduction <add>, %reduce_sum3A_31, %reduce_sum3A_32 [1, 2] : vector<1x512x128xi32> to vector<1xi32>
    %reduce_sum3A_34 = vector.shape_cast %reduce_sum3A_33 : vector<1xi32> to vector<1x1x1xi32>
    %reduce_sum3A_35 = vector.extract %reduce_sum3A_34[0, 0, 0] : i32 from vector<1x1x1xi32>
    %jit3A_36 = arith.constant 2 : i32
    %div3A_37 = arith.divsi %reduce_sum3A_35, %jit3A_36 : i32
    %sign3A_38 = arith.constant 0 : i32
    %sign3A_39 = arith.cmpi sgt, %reduce_sum3A_35, %sign3A_38 : i32
    %sign3A_40 = arith.extui %sign3A_39 : i1 to i32
    %sign3A_41 = arith.constant 0 : i32
    %sign3A_42 = arith.cmpi slt, %reduce_sum3A_35, %sign3A_41 : i32
    %sign3A_43 = arith.extui %sign3A_42 : i1 to i32
    %sign3A_44 = arith.subi %sign3A_40, %sign3A_43 : i32
    %sign3A_45 = arith.constant 0 : i32
    %sign3A_46 = arith.cmpi sgt, %jit3A_36, %sign3A_45 : i32
    %sign3A_47 = arith.extui %sign3A_46 : i1 to i32
    %sign3A_48 = arith.constant 0 : i32
    %sign3A_49 = arith.cmpi slt, %jit3A_36, %sign3A_48 : i32
    %sign3A_50 = arith.extui %sign3A_49 : i1 to i32
    %sign3A_51 = arith.subi %sign3A_47, %sign3A_50 : i32
    %ne3A_52 = arith.cmpi ne, %sign3A_44, %sign3A_51 : i32
    %rem3A_53 = arith.remsi %reduce_sum3A_35, %jit3A_36 : i32
    %ne3A_54 = arith.constant 0 : i32
    %ne3A_55 = arith.cmpi ne, %rem3A_53, %ne3A_54 : i32
    %and3A_56 = arith.andi %ne3A_52, %ne3A_55 : i1
    %sub3A_57 = arith.constant 1 : i32
    %sub3A_58 = arith.subi %div3A_37, %sub3A_57 : i32
    %select_n3A_59 = arith.select %and3A_56, %sub3A_58, %div3A_37 : i32
    %bitcast_convert_type3A = tpu.bitcast %get3A_1 : vector<128x128xf32> -> vector<128x128xi32>
    %shift_right_logical3A = arith.constant 31 : i32
    %shift_right_logical3A_60 = vector.broadcast %shift_right_logical3A : i32 to vector<128x128xi32>
    %shift_right_logical3A_61 = arith.shrui %bitcast_convert_type3A, %shift_right_logical3A_60 : vector<128x128xi32>
    %eq3A = arith.constant 1 : i32
    %eq3A_62 = vector.broadcast %eq3A : i32 to vector<128x128xi32>
    %eq3A_63 = arith.cmpi eq, %shift_right_logical3A_61, %eq3A_62 : vector<128x128xi32>
    %not3A = arith.constant dense<-1> : vector<128x128xi32>
    %not3A_64 = arith.xori %bitcast_convert_type3A, %not3A : vector<128x128xi32>
    %or3A = arith.constant -2147483648 : i32
    %or3A_65 = vector.broadcast %or3A : i32 to vector<128x128xi32>
    %or3A_66 = arith.ori %bitcast_convert_type3A, %or3A_65 : vector<128x128xi32>
    %select_n3A_67 = arith.select %eq3A_63, %not3A_64, %or3A_66 : vector<128x128xi1>, vector<128x128xi32>
    %bitcast_convert_type3A_68 = tpu.bitcast %get3A_4 : vector<512x128xf32> -> vector<512x128xi32>
    %shift_right_logical3A_69 = arith.constant 31 : i32
    %shift_right_logical3A_70 = vector.broadcast %shift_right_logical3A_69 : i32 to vector<512x128xi32>
    %shift_right_logical3A_71 = arith.shrui %bitcast_convert_type3A_68, %shift_right_logical3A_70 : vector<512x128xi32>
    %eq3A_72 = arith.constant 1 : i32
    %eq3A_73 = vector.broadcast %eq3A_72 : i32 to vector<512x128xi32>
    %eq3A_74 = arith.cmpi eq, %shift_right_logical3A_71, %eq3A_73 : vector<512x128xi32>
    %not3A_75 = arith.constant dense<-1> : vector<512x128xi32>
    %not3A_76 = arith.xori %bitcast_convert_type3A_68, %not3A_75 : vector<512x128xi32>
    %or3A_77 = arith.constant -2147483648 : i32
    %or3A_78 = vector.broadcast %or3A_77 : i32 to vector<512x128xi32>
    %or3A_79 = arith.ori %bitcast_convert_type3A_68, %or3A_78 : vector<512x128xi32>
    %select_n3A_80 = arith.select %eq3A_74, %not3A_76, %or3A_79 : vector<512x128xi1>, vector<512x128xi32>
    %scan3A = arith.constant 0 : i32
    %scan3A_81 = arith.constant 0 : i32
    %scan3A_82 = arith.constant 0 : i32
    %scan3A_83 = arith.constant 32 : i32
    %scan3A_84 = arith.addi %scan3A_82, %scan3A_83 : i32
    %scan3A_85 = arith.constant 1 : i32
    %scan3A_86:2 = scf.for %scan3A_157 = %scan3A_82 to %scan3A_84 step %scan3A_85 iter_args(%scan3A_158 = %scan3A, %scan3A_159 = %scan3A_81) -> (i32, i32)  : i32 {
      %shift_right_logical3A_160 = arith.constant -2147483648 : i32
      %shift_right_logical3A_161 = arith.shrui %shift_right_logical3A_160, %scan3A_157 : i32
      %or3A_162 = arith.ori %scan3A_158, %shift_right_logical3A_161 : i32
      %or3A_163 = arith.ori %scan3A_159, %shift_right_logical3A_161 : i32
      %ge3A_164 = vector.broadcast %or3A_162 : i32 to vector<128x128xi32>
      %ge3A_165 = arith.cmpi uge, %select_n3A_67, %ge3A_164 : vector<128x128xi32>
      %convert_element_type3A_166 = arith.extui %ge3A_165 : vector<128x128xi1> to vector<128x128xi32>
      %reduce_sum3A_167 = vector.shape_cast %convert_element_type3A_166 : vector<128x128xi32> to vector<1x128x128xi32>
      %reduce_sum3A_168 = arith.constant dense<0> : vector<1xi32>
      %reduce_sum3A_169 = vector.multi_reduction <add>, %reduce_sum3A_167, %reduce_sum3A_168 [1, 2] : vector<1x128x128xi32> to vector<1xi32>
      %reduce_sum3A_170 = vector.shape_cast %reduce_sum3A_169 : vector<1xi32> to vector<1x1x1xi32>
      %reduce_sum3A_171 = vector.extract %reduce_sum3A_170[0, 0, 0] : i32 from vector<1x1x1xi32>
      %ge3A_172 = vector.broadcast %or3A_163 : i32 to vector<512x128xi32>
      %ge3A_173 = arith.cmpi uge, %select_n3A_80, %ge3A_172 : vector<512x128xi32>
      %convert_element_type3A_174 = arith.extui %ge3A_173 : vector<512x128xi1> to vector<512x128xi32>
      %reduce_sum3A_175 = vector.shape_cast %convert_element_type3A_174 : vector<512x128xi32> to vector<1x512x128xi32>
      %reduce_sum3A_176 = arith.constant dense<0> : vector<1xi32>
      %reduce_sum3A_177 = vector.multi_reduction <add>, %reduce_sum3A_175, %reduce_sum3A_176 [1, 2] : vector<1x512x128xi32> to vector<1xi32>
      %reduce_sum3A_178 = vector.shape_cast %reduce_sum3A_177 : vector<1xi32> to vector<1x1x1xi32>
      %reduce_sum3A_179 = vector.extract %reduce_sum3A_178[0, 0, 0] : i32 from vector<1x1x1xi32>
      %ge3A_180 = arith.cmpi sge, %reduce_sum3A_171, %select_n3A : i32
      %select_n3A_181 = arith.select %ge3A_180, %or3A_162, %scan3A_158 : i32
      %ge3A_182 = arith.cmpi sge, %reduce_sum3A_179, %select_n3A_59 : i32
      %select_n3A_183 = arith.select %ge3A_182, %or3A_163, %scan3A_159 : i32
      scf.yield %select_n3A_181, %select_n3A_183 : i32, i32
    }
    %scan3A_87 = arith.constant 32 : i32
    %gt3A_88 = vector.broadcast %scan3A_86#0 : i32 to vector<128x128xi32>
    %gt3A_89 = arith.cmpi ugt, %select_n3A_67, %gt3A_88 : vector<128x128xi32>
    %gt3A_90 = vector.broadcast %scan3A_86#1 : i32 to vector<512x128xi32>
    %gt3A_91 = arith.cmpi ugt, %select_n3A_80, %gt3A_90 : vector<512x128xi32>
    %convert_element_type3A_92 = arith.extui %gt3A_89 : vector<128x128xi1> to vector<128x128xi32>
    %reduce_sum3A_93 = vector.shape_cast %convert_element_type3A_92 : vector<128x128xi32> to vector<1x128x128xi32>
    %reduce_sum3A_94 = arith.constant dense<0> : vector<1xi32>
    %reduce_sum3A_95 = vector.multi_reduction <add>, %reduce_sum3A_93, %reduce_sum3A_94 [1, 2] : vector<1x128x128xi32> to vector<1xi32>
    %reduce_sum3A_96 = vector.shape_cast %reduce_sum3A_95 : vector<1xi32> to vector<1x1x1xi32>
    %reduce_sum3A_97 = vector.extract %reduce_sum3A_96[0, 0, 0] : i32 from vector<1x1x1xi32>
    %convert_element_type3A_98 = arith.extui %gt3A_91 : vector<512x128xi1> to vector<512x128xi32>
    %reduce_sum3A_99 = vector.shape_cast %convert_element_type3A_98 : vector<512x128xi32> to vector<1x512x128xi32>
    %reduce_sum3A_100 = arith.constant dense<0> : vector<1xi32>
    %reduce_sum3A_101 = vector.multi_reduction <add>, %reduce_sum3A_99, %reduce_sum3A_100 [1, 2] : vector<1x512x128xi32> to vector<1xi32>
    %reduce_sum3A_102 = vector.shape_cast %reduce_sum3A_101 : vector<1xi32> to vector<1x1x1xi32>
    %reduce_sum3A_103 = vector.extract %reduce_sum3A_102[0, 0, 0] : i32 from vector<1x1x1xi32>
    %jit3A_104 = arith.constant 0.000000e+00 : f32
    %broadcast_in_dim3A = vector.broadcast %jit3A_104 : f32 to vector<128x128xf32>
    %select_n3A_105 = arith.select %gt3A_89, %get3A_1, %broadcast_in_dim3A : vector<128x128xi1>, vector<128x128xf32>
    %reduce_sum3A_106 = vector.shape_cast %select_n3A_105 : vector<128x128xf32> to vector<1x128x128xf32>
    %reduce_sum3A_107 = arith.constant dense<0.000000e+00> : vector<1xf32>
    %reduce_sum3A_108 = vector.multi_reduction <add>, %reduce_sum3A_106, %reduce_sum3A_107 [1, 2] : vector<1x128x128xf32> to vector<1xf32>
    %reduce_sum3A_109 = vector.shape_cast %reduce_sum3A_108 : vector<1xf32> to vector<1x1x1xf32>
    %reduce_sum3A_110 = vector.extract %reduce_sum3A_109[0, 0, 0] : f32 from vector<1x1x1xf32>
    %max3A = arith.constant 0.000000e+00 : f32
    %max3A_111 = vector.broadcast %max3A : f32 to vector<512x128xf32>
    %max3A_112 = arith.maximumf %get3A_4, %max3A_111 : vector<512x128xf32>
    %jit3A_113 = arith.constant 0.000000e+00 : f32
    %broadcast_in_dim3A_114 = vector.broadcast %jit3A_113 : f32 to vector<512x128xf32>
    %select_n3A_115 = arith.select %gt3A_91, %max3A_112, %broadcast_in_dim3A_114 : vector<512x128xi1>, vector<512x128xf32>
    %reduce_sum3A_116 = vector.shape_cast %select_n3A_115 : vector<512x128xf32> to vector<1x512x128xf32>
    %reduce_sum3A_117 = arith.constant dense<0.000000e+00> : vector<1xf32>
    %reduce_sum3A_118 = vector.multi_reduction <add>, %reduce_sum3A_116, %reduce_sum3A_117 [1, 2] : vector<1x512x128xf32> to vector<1xf32>
    %reduce_sum3A_119 = vector.shape_cast %reduce_sum3A_118 : vector<1xf32> to vector<1x1x1xf32>
    %reduce_sum3A_120 = vector.extract %reduce_sum3A_119[0, 0, 0] : f32 from vector<1x1x1xf32>
    %sub3A_121 = arith.subi %select_n3A, %reduce_sum3A_97 : i32
    %convert_element_type3A_122 = arith.sitofp %sub3A_121 : i32 to f32
    %ge3A = arith.constant -2147483648 : i32
    %ge3A_123 = arith.cmpi uge, %scan3A_86#0, %ge3A : i32
    %and3A_124 = arith.constant 2147483647 : i32
    %and3A_125 = arith.andi %scan3A_86#0, %and3A_124 : i32
    %not3A_126 = arith.constant -1 : i32
    %not3A_127 = arith.xori %scan3A_86#0, %not3A_126 : i32
    %select_n3A_128 = arith.select %ge3A_123, %and3A_125, %not3A_127 : i32
    %bitcast_convert_type3A_129 = arith.bitcast %select_n3A_128 : i32 to f32
    %mul3A = arith.mulf %convert_element_type3A_122, %bitcast_convert_type3A_129 : f32
    %add3A = arith.addf %reduce_sum3A_110, %mul3A : f32
    %sub3A_130 = arith.subi %select_n3A_59, %reduce_sum3A_103 : i32
    %convert_element_type3A_131 = arith.sitofp %sub3A_130 : i32 to f32
    %ge3A_132 = arith.constant -2147483648 : i32
    %ge3A_133 = arith.cmpi uge, %scan3A_86#1, %ge3A_132 : i32
    %and3A_134 = arith.constant 2147483647 : i32
    %and3A_135 = arith.andi %scan3A_86#1, %and3A_134 : i32
    %not3A_136 = arith.constant -1 : i32
    %not3A_137 = arith.xori %scan3A_86#1, %not3A_136 : i32
    %select_n3A_138 = arith.select %ge3A_133, %and3A_135, %not3A_137 : i32
    %bitcast_convert_type3A_139 = arith.bitcast %select_n3A_138 : i32 to f32
    %max3A_140 = arith.constant 0.000000e+00 : f32
    %max3A_141 = arith.maximumf %bitcast_convert_type3A_139, %max3A_140 : f32
    %mul3A_142 = arith.mulf %convert_element_type3A_131, %max3A_141 : f32
    %add3A_143 = arith.addf %reduce_sum3A_120, %mul3A_142 : f32
    %gt3A_144 = arith.constant 0 : i32
    %gt3A_145 = arith.cmpi sgt, %select_n3A, %gt3A_144 : i32
    %max3A_146 = arith.constant 1 : i32
    %max3A_147 = arith.maxsi %select_n3A, %max3A_146 : i32
    %convert_element_type3A_148 = arith.sitofp %max3A_147 : i32 to f32
    %div3A_149 = arith.divf %add3A, %convert_element_type3A_148 : f32
    %jit3A_150 = arith.constant 0.000000e+00 : f32
    %select_n3A_151 = arith.select %gt3A_145, %div3A_149, %jit3A_150 : f32
    %convert_element_type3A_152 = arith.sitofp %select_n3A_59 : i32 to f32
    %div3A_153 = arith.divf %add3A_143, %convert_element_type3A_152 : f32
    %add3A_154 = arith.addf %select_n3A_151, %div3A_153 : f32
    %swap3A = arith.constant 0 : index
    %swap3A_155 = arith.constant 0 : index
    %swap3A_156 = memref.load %arg2[%swap3A, %swap3A_155] : memref<1x1xf32, #tpu.memory_space<smem>>
    memref.store %add3A_154, %arg2[%swap3A, %swap3A_155] : memref<1x1xf32, #tpu.memory_space<smem>>
    return
  }
}

</mosaic_0001>

<sc_bundles>
// kernel: kernel.5.cloned.1.call-start
scs
__scs_entry_jumppad:
0x0: {  	(pc) =	sbr.rel $0x88, $3  }
0x1: {  	(tag) =	ssettag $0x0;
	lr =	simm.s32 $0x1  }
0x2: {  	[smem:$0x3F9F] =	sst lr;
	_ =	strace $0xD0000000  }
0x3: {  	_ = 	snop  }
0x4: {  	_ = 	snop  }
0x5: {  	_ = 	snop  }
0x6: {  	_ = 	snop  }
0x7: {  	_ = 	snop  }
__scs_overlays_trampoline_lowered:
0x8: {  	[smem:$0x3FAE] =	sst s0  }
0x9: {  	[smem:$0x3FAF] =	sst s1  }
0xa: {  	[smem:$0x3FB0] =	sst s2  }
0xb: {  	[smem:$0x3FB1] =	sst s3  }
0xc: {  	[smem:$0x3FB2] =	sst s4  }
0xd: {  	[smem:$0x3FB3] =	sst s5  }
0xe: {  	[smem:$0x3FB4] =	sst s6  }
0xf: {  	[smem:$0x3FB5] =	sst s7  }
0x10: {  	[smem:$0x3FB6] =	sst s8  }
0x11: {  	[smem:$0x3FB7] =	sst s9;
	s0 =	simm.s32 @!p0 $0x0  }
0x12: {  	s1 =	sld [smem:$0x3F9D];
	s0 =	simm.s32 @p0 $0x1  }
0x13: {  	[smem:$0x3FB8] =	sst s0;
	s0 =	simm.s32 @!p1 $0x0  }
0x14: {  	s2 =	sld [smem:$0x3F9C];
	s0 =	simm.s32 @p1 $0x1  }
0x15: {  	[smem:$0x3FB9] =	sst s0;
	s0 =	simm.s32 @!p2 $0x0  }
0x16: {  	s3 =	sld [smem:$0x3FDB];
	s0 =	simm.s32 @p2 $0x1  }
0x17: {  	s4 =	simm.s32 $0x1BF5;
	[smem:$0x3FBB] =	sst s0  }
0x18: {  	s0 =	sld [smem:$0x3F9E];
	_ =	swait.ge [sflag:s4], $0x0  }
0x19: {  	s7 =	sld [smem:$0x3F9F]  }
0x1a: {  	s8 =	sadd.s32 $0xFFFFE003, lr  }
0x1b: {  	s9 =	sadd.s32 $0xFFFFFEF7, lr;
	s5 =	simm.s32 $0xFFFFFFFF;
	p2 =	slt.u32 s8, $0xFFFFF086  }
0x1c: {  	p1 =	slt.u32 s9, $0xF7A;
	s5 =	simm.s32 @!p2 $0x0  }
0x1d: {  	s5 =	simm.s32 @p1 $0x1;
	p0 =	seq.s32 s7, s2  }
0x1e: {  	s7 =	smul.u32 @!p0 $0xF7A, s2;
	p2 =	seq.s32 @!p0 s5, $0x0  }
0x1f: {  	s9 =	smul.u32 $0xF7A, s1;
	s8 =	simm.s32 @!p0 $0x1BF5;
	p2 =	por !p2, p0  }
0x20: {  	[sflag:s8] =	ssyncset.s32 @!p0 $0xFFFFF086;
	s6 =	sadd.s32 @!p0 s3, s7;
	s7 =	simm.s32 @!p0 $0x108  }
0x21: {  	s3 =	sadd.s32 s3, s9;
	s6 =	sadd.s32 @!p0 $0x88, s6;
	s7 =	simm.s32 @p2 $0x1082  }
0x22: {  	[simem:s7], [sflag:s8] =	dma.local @!p0 [hbm:s6], $0xF7A  }
0x23: {  	s9 =	sor.u32 $0xD0000000, s2;
	s6 =	simm.s32 $0x108;
	_ =	swait.ge @!p0 [sflag:s8], $0x0  }
0x24: {  	s3 =	sadd.s32 $0x88, s3;
	s6 =	simm.s32 @!p1 $0x1082;
	[sflag:s4] =	ssyncset.s32 $0xFFFFF086  }
0x25: {  	[simem:s6], [sflag:s4] =	dma.local [hbm:s3], $0xF7A  }
0x26: {  	[smem:$0x3F9F] =	sst s1;
	(tag) =	ssettag s2;
	_ =	strace s9  }
0x27: {  	s1 =	sld [smem:$0x3FAF]  }
0x28: {  	s2 =	sld [smem:$0x3FB0]  }
0x29: {  	s4 =	sld [smem:$0x3FB2]  }
0x2a: {  	p0 =	seq.s32 s5, $0x0;
	s5 =	sld [smem:$0x3FB3]  }
0x2b: {  	s6 =	sld [smem:$0x3FB4]  }
0x2c: {  	s7 =	sld [smem:$0x3FB5]  }
0x2d: {  	s3 =	simm.s32 $0x108;
	s8 =	sld [smem:$0x3FB6]  }
0x2e: {  	s3 =	simm.s32 @!p0 $0x1082;
	s9 =	sld [smem:$0x3FB7]  }
0x2f: {  	lr =	sadd.s32 s0, s3;
	s0 =	sld [smem:$0x3FAE]  }
0x30: {  	s3 =	sld [smem:$0x3FB1]  }
0x31: {  	[smem:$0x3FBA] =	sst s10  }
0x32: {  	s10 =	sld [smem:$0x3FB8];
	_ =	sdelay $0x3  }
0x33: {  	p0 =	seq.s32 s10, $0x1;
	s10 =	sld [smem:$0x3FBA];
	_ =	sdelay $0x3  }
0x34: {  	[smem:$0x3FBA] =	sst s10  }
0x35: {  	s10 =	sld [smem:$0x3FB9];
	_ =	sdelay $0x3  }
0x36: {  	p1 =	seq.s32 s10, $0x1;
	s10 =	sld [smem:$0x3FBA];
	_ =	sdelay $0x3  }
0x37: {  	[smem:$0x3FBA] =	sst s10  }
0x38: {  	s10 =	sld [smem:$0x3FBB]  }
0x39: {  	_ = 	snop;
	(pc) =	sbr.ind lr, $3  }
0x3a: {  	_ = 	snop  }
0x3b: {  	_ = 	snop  }
0x3c: {  	p2 =	seq.s32 s10, $0x1;
	s10 =	sld [smem:$0x3FBA]  }
0x3d: {  	_ =	shalt  }
0x3e: {  	_ =	shalt  }
0x3f: {  	_ =	shalt  }
0x40: {  	_ =	shalt  }
0x41: {  	_ =	shalt  }
0x42: {  	_ =	shalt  }
0x43: {  	_ =	shalt  }
0x44: {  	_ =	shalt  }
0x45: {  	_ =	shalt  }
0x46: {  	_ =	shalt  }
0x47: {  	_ =	shalt  }
0x48: {  	_ =	shalt  }
0x49: {  	_ =	shalt  }
0x4a: {  	_ =	shalt  }
0x4b: {  	_ =	shalt  }
0x4c: {  	_ =	shalt  }
0x4d: {  	_ =	shalt  }
0x4e: {  	_ =	shalt  }
0x4f: {  	_ =	shalt  }
0x50: {  	_ =	shalt  }
0x51: {  	_ =	shalt  }
0x52: {  	_ =	shalt  }
0x53: {  	_ =	shalt  }
0x54: {  	_ =	shalt  }
0x55: {  	_ =	shalt  }
0x56: {  	_ =	shalt  }
0x57: {  	_ =	shalt  }
0x58: {  	_ =	shalt  }
0x59: {  	_ =	shalt  }
0x5a: {  	_ =	shalt  }
0x5b: {  	_ =	shalt  }
0x5c: {  	_ =	shalt  }
0x5d: {  	_ =	shalt  }
0x5e: {  	_ =	shalt  }
0x5f: {  	_ =	shalt  }
0x60: {  	_ =	shalt  }
0x61: {  	_ =	shalt  }
0x62: {  	_ =	shalt  }
0x63: {  	_ =	shalt  }
0x64: {  	_ =	shalt  }
0x65: {  	_ =	shalt  }
0x66: {  	_ =	shalt  }
0x67: {  	_ =	shalt  }
0x68: {  	_ =	shalt  }
0x69: {  	_ =	shalt  }
0x6a: {  	_ =	shalt  }
0x6b: {  	_ =	shalt  }
0x6c: {  	_ =	shalt  }
0x6d: {  	_ =	shalt  }
0x6e: {  	_ =	shalt  }
0x6f: {  	_ =	shalt  }
0x70: {  	_ =	shalt  }
0x71: {  	_ =	shalt  }
0x72: {  	_ =	shalt  }
0x73: {  	_ =	shalt  }
0x74: {  	_ =	shalt  }
0x75: {  	_ =	shalt  }
0x76: {  	_ =	shalt  }
0x77: {  	_ =	shalt  }
0x78: {  	_ =	shalt  }
0x79: {  	_ =	shalt  }
0x7a: {  	_ =	shalt  }
0x7b: {  	_ =	shalt  }
0x7c: {  	_ =	shalt  }
0x7d: {  	_ =	shalt  }
0x7e: {  	_ =	shalt  }
0x7f: {  	_ =	shalt  }
0x80: {  	_ =	shalt  }
0x81: {  	_ =	shalt  }
0x82: {  	_ =	shalt  }
0x83: {  	_ =	shalt  }
0x84: {  	_ =	shalt  }
0x85: {  	_ =	shalt  }
0x86: {  	_ =	shalt  }
0x87: {  	_ =	shalt  }
.Lfunc_end0:
.L_simem_size_0:
called_computation_lowered:
.L_overlay_start_0:
0x88: {  	s2 =	sld [smem:$0x3FD9]  }
0x89: {  	s3 =	sld [smem:$0x3FFE];
	_ =	sdelay $0x1  }
0x8a: {  	s1 =	srdreg.scid  }
0x8b: {  	s0 =	sand.u32 $0x1, s1  }
0x8c: {  	s17 =	sshll.u32 s0, $0xA;
	s2 =	sadd.s32 s3, s2  }
0x8d: {  	s2 =	sadd.s32 s2, s17  }
0x8e: {  	[smem:$0x3FC6] =	sst s2  }
0x8f: {  	_ = 	snop  }
0x90: {  	s2 =	sld [smem:$0x3FC8];
	(tm) =	ssettm $0x1  }
0x91: {  	s18 =	sld [smem:$0x3FFB];
	_ =	sdelay $0x3  }
0x92: {  	_ =	strace s18  }
0x93: {  	s3 =	sld [smem:$0x3FFC];
	_ =	sdelay $0x3  }
0x94: {  	_ =	strace s3  }
0x95: {  	s3 =	sld [smem:$0x3FFD];
	_ =	sdelay $0x3  }
0x96: {  	_ =	strace s3  }
0x97: {  	_ =	strace $0x8FFFFFFF  }
0x98: {  	s19 =	sld [smem:$0x3FDB];
	_ =	sdelay $0x1  }
0x99: {  	s4 =	simm.s32 $_scs_section_size  }
0x9a: {  	s5 =	simm.s32 $_size__tile_overlayer_lowered;
	s6 =	simm.s32 $_tile_overlayer_lowered  }
0x9b: {  	s22 =	simm.s32 $0x1BFF;
	s21 =	sshll.u32 s6, $0x1;
	s3 =	sadd.s32 s4, s19  }
0x9c: {  	s7 =	simm.s32 $0x0;
	s20 =	sshll.u32 s5, $0x1;
	s5 =	sadd.s32 s21, s3  }
0x9d: {  	[timem:s7], [sflag:s22] =	dma.local [hbm:s5], s20  }
0x9e: {  	_ =	swait.ge [sflag:s22], s20  }
0x9f: {  	s4 =	ssub.s32 $0x0, s20;
	[sflag:s22] =	ssyncset.done $0x0  }
0xa0: {  	[sflag:s22] =	ssyncadd.s32 s4;
	_ =	sdelay $0x1  }
0xa1: {  	s23 =	simm.s32 $0x1B8B  }
0xa2: {  	_ =	swait.ge [sflag:s23], $0x1  }
0xa3: {  	[sflag:s23] =	ssyncset.done $0x0  }
0xa4: {  	s25 =	simm.s32 $0x1B8E;
	s24 =	sld [smem:$0x3FFE];
	[sflag:s23] =	ssyncadd.s32 $0xFFFFFFFF  }
0xa5: {  	s26 =	simm.s32 $execute0_lowered;
	[smem:$0x3FD2] =	sst s25  }
0xa6: {  	s5 =	sshll.u32 s26, $0x1;
	_ =	strace $0x80000046;
	[dreg:$0x1] =	wrdreg $0xFFFFFFFF  }
0xa7: {  	s28 =	simm.s32 $_size_execute0_lowered;
	s3 =	sadd.s32 s3, s5;
	[dreg:$0x0] =	wrdreg $0x0  }
0xa8: {  	s5 =	sshll.u32 s28, $0x1;
	[dreg:$0x2] =	wrdreg s3  }
0xa9: {  	[dreg:$0x3] =	wrdreg s5  }
0xaa: {  	[dreg:$0x4] =	wrdreg $0xC0  }
0xab: {  	_ =	task [dreg:s7], $0x5FFFF  }
0xac: {  	[dreg:$0x1] =	wrdreg $0xFFFFFFFF  }
0xad: {  	[dreg:$0x0] =	wrdreg $0x60  }
0xae: {  	[dreg:$0x2] =	wrdreg s24  }
0xaf: {  	[dreg:$0x3] =	wrdreg s2  }
0xb0: {  	[dreg:$0x4] =	wrdreg $0x9  }
0xb1: {  	_ =	task.clear_ibuf [dreg:s7], $0x5FFFF;
	_ =	strace $0x90000046  }
0xb2: {  	s29 =	simm.s32 $0x9;
	_ =	strace $0x80000048  }
0xb3: {  	_ =	swait.ge [sflag:s29], $0x1  }
0xb4: {  	[sflag:s29] =	ssyncadd.s32 $0xFFFFFFFF  }
0xb5: {  	_ =	strace $0x90000048  }
0xb6: {  	_ =	sfence  }
0xb7: {  	s30 =	sld [smem:$0x0];
	_ =	sdelay $0x2  }
0xb8: {  	s31 =	sshll.u32 s1, $0xD;
	s1 =	sshrl.u32 s1, $0x2  }
0xb9: {  	s3 =	sand.u32 $0x4000, s31;
	s1 =	sadd.s32 s1, s30  }
0xba: {  	s0 =	sor.u32 s3, s0;
	s1 =	sshll.u32 s1, $0x11  }
0xbb: {  	s0 =	sor.u32 s1, s0  }
0xbc: {  	s0 =	sadd.s32 $0x8F2B, s0  }
0xbd: {  	[sflag:s0] =	ssyncadd.remote.s32 $0x1  }
0xbe: {  	_ =	sfence.sel $0xFFFF  }
0xbf: {  	[dreg:$0x0] =	wrdreg $0xFFFFFFFF;
	(pc) =	sbr.abs _section_cstart, $3  }
0xc0: {  	[dreg:$0x1] =	wrdreg $0xFFFFFFFF  }
0xc1: {  	_ =	task.clear_ibuf [dreg:s7], $0x2FFFF;
	_ =	strace $0x9FFFFFFF  }
0xc2: {  	(tm) =	ssettm $0x7FFFFFFF  }
0xc3: {  	_ =	shalt  }
tec
execute0_lowered:
.L_overlay_start_1:
0x0: {  	(tag) =	ssettag $0x1  }
0x1: {  	s0 =	rddreg [dreg:$0x0]  }
0x2: {  	s3 =	simm.s32 $0x0;
	s1 =	srdreg.scid;
	s2 =	stileid.u32  }
0x3: {  	s11 =	simm.s32 $0x1800;
	s12 =	simm.s32 $0x1;
	s13 =	simm.s32 $0x80  }
0x4: {  	s10 =	simm.s32 $0x1580;
	s14 =	simm.s32 $0x600;
	s15 =	simm.s32 $0x1600  }
0x5: {  	s16 =	simm.s32 $0x680;
	s17 =	simm.s32 $0x1680;
	s18 =	simm.s32 $0x700  }
0x6: {  	s19 =	simm.s32 $0x1700;
	s20 =	simm.s32 $0x780;
	s21 =	simm.s32 $0x1780  }
0x7: {  	s22 =	simm.s32 $0x2;
	s23 =	simm.s32 $0x2000;
	s24 =	simm.s32 $0x2200  }
0x8: {  	s25 =	simm.s32 $0x0;
	s1 =	sand.u32 $0x1, s1;
	s2 =	sshll.u32 s2, $0x1  }
0x9: {  	[smem:$0x7FF] =	sst s3;
	s4 =	sadd.s32 $0x1400, s0;
	s2 =	sor.u32 s1, s2  }
0xa: {  	_ =	strace $0x80000047;
	s1 =	ssub.s32 $0x2, s1;
	s5 =	sshll.u32 s2, $0x6  }
0xb: {  	s2 =	sshll.u32 s2, $0x8;
	s6 =	sshrl.u32 s1, $0x1;
	s7 =	sadd.s32 s5, s0  }
0xc: {  	s0 =	sadd.s32 s2, s0;
	s1 =	ssub.s32 s1, s6;
	s2 =	simm.s32 $0x1500  }
0xd: {  	s5 =	sadd.s32 $0x43400, s0;
	s6 =	sadd.s32 $0x41400, s0;
	s7 =	sadd.s32 $0x47400, s7  }
0xe: {  	v0 =	vimm.f32 $-Inf;
	v1 =	vimm.s32 $0x0;
	s8 =	sadd.s32 $0x45400, s0;
	s9 =	smax.u32 s1, $0x1;
	s1 =	simm.s32 $0x580  }
.LBB2_1:
0xf: {  	[tilespmem:s3], [sflag:$0x1] =	stream.linear.gather [hbm4b:s5+s3], $0x800, $0x38;
	[tilespmem:$0x2A00] =	vst v63  }
0x10: {  	s0 =	simm.s32 $0x800  }
0x11: {  	[tilespmem:s0], [sflag:$0x2] =	stream.linear.gather [hbm4b:s6+s3], $0x800, $0x38;
	[tilespmem:$0x2A00] =	vst v63  }
0x12: {  	s26 =	rddreg [dreg:$0x1]  }
0x13: {  	[tilespmem:s11], [sflag:$0x2] =	stream.linear.gather [hbm4b:s26+s3], $0x800, $0x38;
	[tilespmem:$0x2A00] =	vst v63  }
0x14: {  	_ =	swait.ge [sflag:s12], $0x800  }
0x15: {  	[sflag:s12] =	ssyncset.done $0x0  }
0x16: {  	s26 =	simm.s32 $0x1000;
	[sflag:s12] =	ssyncadd.s32 $0xFFFFF800  }
0x17: {  	[tilespmem:s26], [sflag:$0x1] =	stream.indirect.gather [hbm4b:s4+s13], $0x1, s3, s13, $0xb8;
	[tilespmem:$0x2A00] =	vst v63  }
0x18: {  	s31 =	simm.s32 $0x1080  }
0x19: {  	[tilespmem:s31], [sflag:$0x1] =	stream.indirect.gather [hbm4b:s4+s13], $0x1, s13, s13, $0xb8;
	[tilespmem:$0x2A00] =	vst v63  }
0x1a: {  	s28 =	simm.s32 $0x1100;
	s31 =	simm.s32 $0x100  }
0x1b: {  	[tilespmem:s28], [sflag:$0x1] =	stream.indirect.gather [hbm4b:s4+s13], $0x1, s31, s13, $0xb8;
	[tilespmem:$0x2A00] =	vst v63  }
0x1c: {  	s31 =	simm.s32 $0x180;
	s28 =	simm.s32 $0x1180  }
0x1d: {  	[tilespmem:s28], [sflag:$0x1] =	stream.indirect.gather [hbm4b:s4+s13], $0x1, s31, s13, $0xb8;
	[tilespmem:$0x2A00] =	vst v63  }
0x1e: {  	s31 =	simm.s32 $0x200;
	s28 =	simm.s32 $0x1200  }
0x1f: {  	[tilespmem:s28], [sflag:$0x1] =	stream.indirect.gather [hbm4b:s4+s13], $0x1, s31, s13, $0xb8;
	[tilespmem:$0x2A00] =	vst v63  }
0x20: {  	s31 =	simm.s32 $0x280;
	s28 =	simm.s32 $0x1280  }
0x21: {  	[tilespmem:s28], [sflag:$0x1] =	stream.indirect.gather [hbm4b:s4+s13], $0x1, s31, s13, $0xb8;
	[tilespmem:$0x2A00] =	vst v63  }
0x22: {  	s31 =	simm.s32 $0x300;
	s28 =	simm.s32 $0x1300  }
0x23: {  	[tilespmem:s28], [sflag:$0x1] =	stream.indirect.gather [hbm4b:s4+s13], $0x1, s31, s13, $0xb8;
	[tilespmem:$0x2A00] =	vst v63  }
0x24: {  	s31 =	simm.s32 $0x380;
	s28 =	simm.s32 $0x1380  }
0x25: {  	[tilespmem:s28], [sflag:$0x1] =	stream.indirect.gather [hbm4b:s4+s13], $0x1, s31, s13, $0xb8;
	[tilespmem:$0x2A00] =	vst v63  }
0x26: {  	s31 =	simm.s32 $0x400;
	s28 =	simm.s32 $0x1400  }
0x27: {  	[tilespmem:s28], [sflag:$0x1] =	stream.indirect.gather [hbm4b:s4+s13], $0x1, s31, s13, $0xb8;
	[tilespmem:$0x2A00] =	vst v63  }
0x28: {  	s31 =	simm.s32 $0x480;
	s28 =	simm.s32 $0x1480  }
0x29: {  	[tilespmem:s28], [sflag:$0x1] =	stream.indirect.gather [hbm4b:s4+s13], $0x1, s31, s13, $0xb8;
	[tilespmem:$0x2A00] =	vst v63  }
0x2a: {  	s31 =	simm.s32 $0x500  }
0x2b: {  	[tilespmem:s2], [sflag:$0x1] =	stream.indirect.gather [hbm4b:s4+s13], $0x1, s31, s13, $0xb8;
	[tilespmem:$0x2A00] =	vst v63  }
0x2c: {  	_ = 	snop  }
0x2d: {  	[tilespmem:s10], [sflag:$0x1] =	stream.indirect.gather [hbm4b:s4+s13], $0x1, s1, s13, $0xb8;
	[tilespmem:$0x2A00] =	vst v63  }
0x2e: {  	_ = 	snop  }
0x2f: {  	[tilespmem:s15], [sflag:$0x1] =	stream.indirect.gather [hbm4b:s4+s13], $0x1, s14, s13, $0xb8;
	[tilespmem:$0x2A00] =	vst v63  }
0x30: {  	_ = 	snop  }
0x31: {  	[tilespmem:s17], [sflag:$0x1] =	stream.indirect.gather [hbm4b:s4+s13], $0x1, s16, s13, $0xb8;
	[tilespmem:$0x2A00] =	vst v63  }
0x32: {  	_ = 	snop  }
0x33: {  	[tilespmem:s19], [sflag:$0x1] =	stream.indirect.gather [hbm4b:s4+s13], $0x1, s18, s13, $0xb8;
	[tilespmem:$0x2A00] =	vst v63  }
0x34: {  	_ = 	snop  }
0x35: {  	[tilespmem:s21], [sflag:$0x1] =	stream.indirect.gather [hbm4b:s4+s13], $0x1, s20, s13, $0xb8;
	[tilespmem:$0x2A00] =	vst v63  }
0x36: {  	[tilespmem:$0x2000] =	vst v0  }
0x37: {  	[tilespmem:$0x2010] =	vst v0  }
0x38: {  	[tilespmem:$0x2020] =	vst v0  }
0x39: {  	[tilespmem:$0x2030] =	vst v0  }
0x3a: {  	[tilespmem:$0x2040] =	vst v0  }
0x3b: {  	[tilespmem:$0x2050] =	vst v0  }
0x3c: {  	[tilespmem:$0x2060] =	vst v0  }
0x3d: {  	[tilespmem:$0x2070] =	vst v0  }
0x3e: {  	[tilespmem:$0x2080] =	vst v0  }
0x3f: {  	[tilespmem:$0x2090] =	vst v0  }
0x40: {  	[tilespmem:$0x20A0] =	vst v0  }
0x41: {  	[tilespmem:$0x20B0] =	vst v0  }
0x42: {  	[tilespmem:$0x20C0] =	vst v0  }
0x43: {  	[tilespmem:$0x20D0] =	vst v0  }
0x44: {  	[tilespmem:$0x20E0] =	vst v0  }
0x45: {  	[tilespmem:$0x20F0] =	vst v0  }
0x46: {  	[tilespmem:$0x2100] =	vst v0  }
0x47: {  	[tilespmem:$0x2110] =	vst v0  }
0x48: {  	[tilespmem:$0x2120] =	vst v0  }
0x49: {  	[tilespmem:$0x2130] =	vst v0  }
0x4a: {  	[tilespmem:$0x2140] =	vst v0  }
0x4b: {  	[tilespmem:$0x2150] =	vst v0  }
0x4c: {  	[tilespmem:$0x2160] =	vst v0  }
0x4d: {  	[tilespmem:$0x2170] =	vst v0  }
0x4e: {  	[tilespmem:$0x2180] =	vst v0  }
0x4f: {  	[tilespmem:$0x2190] =	vst v0  }
0x50: {  	[tilespmem:$0x21A0] =	vst v0  }
0x51: {  	[tilespmem:$0x21B0] =	vst v0  }
0x52: {  	[tilespmem:$0x21C0] =	vst v0  }
0x53: {  	[tilespmem:$0x21D0] =	vst v0  }
0x54: {  	[tilespmem:$0x21E0] =	vst v0  }
0x55: {  	[tilespmem:$0x21F0] =	vst v0  }
0x56: {  	_ =	swait.ge [sflag:s22], $0x800  }
0x57: {  	[sflag:s22] =	ssyncset.done $0x0  }
0x58: {  	[sflag:s22] =	ssyncadd.s32 $0xFFFFF800  }
0x59: {  	_ =	swait.ge [sflag:s22], $0x800  }
0x5a: {  	[sflag:s22] =	ssyncset.done $0x0  }
0x5b: {  	[sflag:s22] =	ssyncadd.s32 $0xFFFFF800  }
0x5c: {  	_ =	swait.ge [sflag:s12], $0x80  }
0x5d: {  	[sflag:s12] =	ssyncset.done $0x0  }
0x5e: {  	[sflag:s12] =	ssyncadd.s32 $0xFFFFFF80  }
0x5f: {  	_ =	swait.ge [sflag:s12], $0x80  }
0x60: {  	[sflag:s12] =	ssyncset.done $0x0  }
0x61: {  	[sflag:s12] =	ssyncadd.s32 $0xFFFFFF80  }
0x62: {  	_ =	swait.ge [sflag:s12], $0x80  }
0x63: {  	[sflag:s12] =	ssyncset.done $0x0  }
0x64: {  	[sflag:s12] =	ssyncadd.s32 $0xFFFFFF80  }
0x65: {  	_ =	swait.ge [sflag:s12], $0x80  }
0x66: {  	[sflag:s12] =	ssyncset.done $0x0  }
0x67: {  	[sflag:s12] =	ssyncadd.s32 $0xFFFFFF80  }
0x68: {  	_ =	swait.ge [sflag:s12], $0x80  }
0x69: {  	[sflag:s12] =	ssyncset.done $0x0  }
0x6a: {  	[sflag:s12] =	ssyncadd.s32 $0xFFFFFF80  }
0x6b: {  	_ =	swait.ge [sflag:s12], $0x80  }
0x6c: {  	[sflag:s12] =	ssyncset.done $0x0  }
0x6d: {  	[sflag:s12] =	ssyncadd.s32 $0xFFFFFF80  }
0x6e: {  	_ =	swait.ge [sflag:s12], $0x80  }
0x6f: {  	[sflag:s12] =	ssyncset.done $0x0  }
0x70: {  	[sflag:s12] =	ssyncadd.s32 $0xFFFFFF80  }
0x71: {  	_ =	swait.ge [sflag:s12], $0x80  }
0x72: {  	[sflag:s12] =	ssyncset.done $0x0  }
0x73: {  	[sflag:s12] =	ssyncadd.s32 $0xFFFFFF80  }
0x74: {  	_ =	swait.ge [sflag:s12], $0x80  }
0x75: {  	[sflag:s12] =	ssyncset.done $0x0  }
0x76: {  	[sflag:s12] =	ssyncadd.s32 $0xFFFFFF80  }
0x77: {  	_ =	swait.ge [sflag:s12], $0x80  }
0x78: {  	[sflag:s12] =	ssyncset.done $0x0  }
0x79: {  	[sflag:s12] =	ssyncadd.s32 $0xFFFFFF80  }
0x7a: {  	_ =	swait.ge [sflag:s12], $0x80  }
0x7b: {  	[sflag:s12] =	ssyncset.done $0x0  }
0x7c: {  	[sflag:s12] =	ssyncadd.s32 $0xFFFFFF80  }
0x7d: {  	_ =	swait.ge [sflag:s12], $0x80  }
0x7e: {  	[sflag:s12] =	ssyncset.done $0x0  }
0x7f: {  	[sflag:s12] =	ssyncadd.s32 $0xFFFFFF80  }
0x80: {  	_ =	swait.ge [sflag:s12], $0x80  }
0x81: {  	[sflag:s12] =	ssyncset.done $0x0  }
0x82: {  	[sflag:s12] =	ssyncadd.s32 $0xFFFFFF80  }
0x83: {  	_ =	swait.ge [sflag:s12], $0x80  }
0x84: {  	[sflag:s12] =	ssyncset.done $0x0  }
0x85: {  	[sflag:s12] =	ssyncadd.s32 $0xFFFFFF80  }
0x86: {  	_ =	swait.ge [sflag:s12], $0x80  }
0x87: {  	[sflag:s12] =	ssyncset.done $0x0  }
0x88: {  	[sflag:s12] =	ssyncadd.s32 $0xFFFFFF80  }
0x89: {  	_ =	swait.ge [sflag:s12], $0x80  }
0x8a: {  	[sflag:s12] =	ssyncset.done $0x0  }
0x8b: {  	s28 =	sand.u32 $0x7F0, s3;
	[sflag:s12] =	ssyncadd.s32 $0xFFFFFF80  }
0x8c: {  	v2 =	vld [tilespmem:s28+$0x800];
	_ =	sdelay $0x4  }
0x8d: {  	v3 =	vand.u32 $0x7FF, v2  }
0x8e: {  	v4 =	vshra.s32 v2, $0xB  }
0x8f: {  	v5 =	vld [tilespmem:s26+$0x0];
	_ =	sdelay $0x2  }
0x90: {  	v2 =	vshrl.u32 v2, $0x11;
	v3 =	vld.idx.msk [tilespmem:v3+s11+$0x0], $0xffff  }
0x91: {  	v2 =	vand.u32 $0x10, v2;
	v4 =	vld.idx.msk [tilespmem:v4+s11+$0x0], $0xffff  }
0x92: {  	v2 =	vshra.s32 v5, v2  }
0x93: {  	v2 =	vshll.u32 v2, $0x10  }
0x94: {  	v2 =	vsub.f32 $1.000000000e+00, v2;
	_ =	sdelay $0x1  }
0x95: {  	vm0 =	vgt.f32 v2, $9.999999970e-07;
	vm1 =	veq.s32 v3, v4  }
0x96: {  	vm0 =	vmand vm1, vm0  }
0x97: {  	v3 =	vsel vm0, $0x1, v1  }
0x98: {  	(xrf0) =	vadd.scan.msk.s32 $0xffff, v3  }
0x99: {  	v3 =	vsub.f32 $5.000000000e-01, v2;
	_ =	sdelay $0x1  }
0x9a: {  	s31 =	simm.s32 $0x10;
	[tilespmem:s3+$0x2000] =	vst.msk vm0, v2;
	v2 =	vsel vm1, $0xFF800000, v3  }
0x9b: {  	s26 =	sand.u32 $0x7F0, s31;
	[tilespmem:s24+$0x0] =	vst v2  }
0x9c: {  	v2 =	vld [tilespmem:s26+$0x800]  }
0x9d: {  	v3, _, _ =	vpop (xrf0)  }
0x9e: {  	(v2sf) =	vpush v3, $0xF;
	_ =	sdelay $0x2  }
0x9f: {  	v3 =	vand.u32 $0x7FF, v2  }
0xa0: {  	s26 =	simm.s32 $0x1010;
	v4 =	vshra.s32 v2, $0xB  }
0xa1: {  	v5 =	vld [tilespmem:s26+$0x0];
	_ =	sdelay $0x2  }
0xa2: {  	v2 =	vshrl.u32 v2, $0x11;
	v3 =	vld.idx.msk [tilespmem:v3+s11+$0x0], $0xffff  }
0xa3: {  	v2 =	vand.u32 $0x10, v2;
	v4 =	vld.idx.msk [tilespmem:v4+s11+$0x0], $0xffff  }
0xa4: {  	v2 =	vshra.s32 v5, v2  }
0xa5: {  	v2 =	vshll.u32 v2, $0x10  }
0xa6: {  	v2 =	vsub.f32 $1.000000000e+00, v2;
	_ =	sdelay $0x1  }
0xa7: {  	vm1 =	vgt.f32 v2, $9.999999970e-07;
	vm0 =	veq.s32 v3, v4  }
0xa8: {  	vm1 =	vmand vm0, vm1;
	s28 =	spop (v2sf)  }
0xa9: {  	s30 =	simm.s32 $0x20;
	s29 =	simm.s32 $0x2200;
	v3 =	vsub.f32 $5.000000000e-01, v2;
	v4 =	vsel vm1, $0x1, v1;
	s28 =	sadd.s32 $0x0, s28  }
.LBB2_2:
0xaa: {  	p1 =	slt.s32 s28, $0x1F0  }
0xab: {  	(xrf0) =	vadd.scan.msk.s32 $0xffff, v4;
	s29 =	sadd.s32 $0x10, s29;
	s31 =	smov.u32 s30;
	s0 =	sadd.s32 $0x10, s30  }
0xac: {  	p0 =	sne.s32 s30, $0x7F0;
	s28 =	simm.s32 @!p1 $0x1F0  }
0xad: {  	[tilespmem:s28+$0x2000] =	vst.msk vm1, v2;
	v2 =	vsel vm0, $0xFF800000, v3  }
0xae: {  	s30 =	sand.u32 $0x7F0, s31;
	[tilespmem:s29+$0x0] =	vst v2  }
0xaf: {  	v2 =	vld [tilespmem:s30+$0x800]  }
0xb0: {  	s26 =	sadd.s32 $0x10, s26  }
0xb1: {  	v3 =	vld [tilespmem:s26+$0x0];
	v4, _, _ =	vpop (xrf0)  }
0xb2: {  	(v2sf) =	vpush v4, $0xF;
	_ =	sdelay $0x1  }
0xb3: {  	v4 =	vshra.s32 v2, $0xB;
	v5 =	vshrl.u32 v2, $0x11;
	v2 =	vand.u32 $0x7FF, v2  }
0xb4: {  	v5 =	vand.u32 $0x10, v5  }
0xb5: {  	v3 =	vshra.s32 v3, v5  }
0xb6: {  	v3 =	vshll.u32 v3, $0x10;
	_ =	sdelay $0x1  }
0xb7: {  	v5 =	vld.idx.msk [tilespmem:v2+s11+$0x0], $0xffff  }
0xb8: {  	v4 =	vld.idx.msk [tilespmem:v4+s11+$0x0], $0xffff;
	_ =	sdelay $0x2  }
0xb9: {  	v2 =	vsub.f32 $1.000000000e+00, v3  }
.Ltmp0:
0xba: {  	(pc) =	sbr.rel @p0 .LBB2_2-.Ltmp0, $4  }
0xbb: {  	vm1 =	vgt.f32 v2, $9.999999970e-07;
	v3 =	vsub.f32 $5.000000000e-01, v2  }
0xbc: {  	vm0 =	veq.s32 v5, v4  }
0xbd: {  	vm1 =	vmand vm0, vm1;
	s30 =	spop (v2sf)  }
0xbe: {  	v4 =	vsel vm1, $0x1, v1;
	s28 =	sadd.s32 s28, s30;
	s30 =	smov.u32 s0  }
0xbf: {  	(xrf0) =	vadd.scan.msk.s32 $0xffff, v4;
	_ =	sdelay $0x5  }
0xc0: {  	v4, _, _ =	vpop (xrf0)  }
0xc1: {  	(v2sf) =	vpush v4, $0xF;
	_ =	sdelay $0xd  }
0xc2: {  	p0 =	slt.s32 s28, $0x1F0  }
0xc3: {  	s28 =	simm.s32 @!p0 $0x1F0;
	s0 =	spop (v2sf)  }
0xc4: {  	s0 =	sadd.s32 s28, s0  }
0xc5: {  	s26 =	sadd.s32 $0x10, s29;
	[tilespmem:s28+$0x2000] =	vst.msk vm1, v2;
	v2 =	vsel vm0, $0xFF800000, v3;
	p0 =	slt.s32 s0, $0x1F0  }
0xc6: {  	[tilespmem:s26+$0x0] =	vst v2;
	s0 =	simm.s32 @!p0 $0x1F0  }
0xc7: {  	[tilespmem:s0+$0x2000] =	vst v0  }
0xc8: {  	[hbm4b:s7+s3] =	stream.linear.scatter [tilespmem:s23], [sflag:$0x1], $0x200, $0x38;
	[tilespmem:$0x2A00] =	vst v63  }
0xc9: {  	s25 =	sadd.s32 $0x1, s25  }
0xca: {  	[hbm4b:s8+s3] =	stream.linear.scatter [tilespmem:s24], [sflag:$0x2], $0x800, $0x38;
	[tilespmem:$0x2A00] =	vst v63  }
0xcb: {  	p0 =	sne.s32 s25, s9;
	_ =	swait.ge [sflag:s12], $0x200  }
.Ltmp1:
0xcc: {  	[sflag:s12] =	ssyncset.done $0x0;
	(pc) =	sbr.rel @p0 .LBB2_1-.Ltmp1, $4  }
0xcd: {  	[sflag:s12] =	ssyncadd.s32 $0xFFFFFE00  }
0xce: {  	_ =	swait.ge [sflag:s22], $0x800  }
0xcf: {  	[sflag:s22] =	ssyncset.done $0x0  }
0xd0: {  	[sflag:s22] =	ssyncadd.s32 $0xFFFFF800  }
0xd1: {  	_ =	sfence.sel $0x180000  }
0xd2: {  	[bflag:$0x0] =	sbarrier.arrive $0xFFFF  }
0xd3: {  	_ =	strace $0x90000047  }
0xd4: {  	s0 =	stileid.u32;
	[bflag:$0x2] =	sbarrier.arrive $0xFFFF  }
0xd5: {  	p0 =	sne.s32 s0, $0x0;
	s0 =	rddreg [dreg:$0x2]  }
0xd6: {  	s0 =	sadd.s32 @!p0 $0x100000, s0  }
0xd7: {  	[sflag:s0] =	ssyncadd.tile.s32 @!p0 $0x1;
	_ =	shalt  }
.Lfunc_end2:
_tile_overlayer_lowered:
.L_overlay_start_2:
0xd8: {  	(tag) =	ssettag $0x2  }
0xd9: {  	s0 =	rddreg [dreg:$0x0];
	s2 =	stileid.u32  }
0xda: {  	s1 =	rddreg [dreg:$0x1];
	p0 =	sne.s32 s2, $0x0  }
0xdb: {  	s3 =	rddreg [dreg:$0x2];
	[bflag:$0x3] =	sbarrier.arrive $0xFFFF;
	s2 =	simm.s32 @!p0 $0x1C03  }
0xdc: {  	[timem:s3], [sflag:s2] =	dma.local @!p0 [hbm:s0], s1  }
0xdd: {  	s0 =	simm.s32 @!p0 $0x3  }
0xde: {  	_ =	swait.ge @!p0 [sflag:s0], s1  }
0xdf: {  	s1 =	ssub.s32 @!p0 $0x0, s1;
	[sflag:s0] =	ssyncset.done @!p0 $0x0  }
0xe0: {  	[sflag:s0] =	ssyncadd.s32 @!p0 s1  }
0xe1: {  	[bflag:$0x3] =	sbarrier.arrive $0xFFFF  }
0xe2: {  	_ =	shalt  }

</sc_bundles>
